<compile_context>
chip_gen: v7x
topology: tpu7x:2x2x1
jax: 0.10.2.dev20260603
libtpu: 0.0.44.dev20260713+nightly
codegen_flags: <defaults>
</compile_context>

<pallas_src>
import functools

import jax
import jax.numpy as jnp
from jax import lax
from jax.experimental import pallas as pl
from jax.experimental.pallas import tpu as pltpu
from jax.experimental.pallas import tpu_sc as plsc

_NC = 2
_NS = 16
_EB = 128
_AW = 128


def _segsum_kernel(R, N, KB, DEP=1):
  NA = -(-N // 128) * 128
  RPS = NA // _NS

  mesh = plsc.VectorSubcoreMesh(core_axis_name="c", subcore_axis_name="s",
                                num_cores=_NC, num_subcores=_NS)

  @functools.partial(
      pl.kernel,
      out_type=jax.ShapeDtypeStruct((_NC, NA, _AW), jnp.float32),
      mesh=mesh,
      scratch_types=[
          pltpu.VMEM((KB, _EB), jnp.int32),
          pltpu.VMEM((KB, _EB), jnp.int32),
          pltpu.VMEM((DEP, _EB, _AW), jnp.float32),
          pltpu.VMEM_SHARED((NA, _AW), jnp.float32),
          pltpu.SemaphoreType.DMA((DEP,)),
      ],
  )
  def seg(rows_hbm, src_hbm, dst_hbm, zero_hbm, out_hbm,
          src_v, dst_v, bufv, acc, sems):
    c = lax.axis_index("c")
    t = lax.axis_index("s")
    pltpu.sync_copy(src_hbm.at[c, t], src_v)
    pltpu.sync_copy(dst_hbm.at[c, t], dst_v)
    pltpu.sync_copy(zero_hbm.at[pl.ds(t * RPS, RPS)],
                    acc.at[pl.ds(t * RPS, RPS)])
    plsc.subcore_barrier()

    if DEP == 1:
      def body(j, carry):
        pltpu.async_copy(rows_hbm.at[src_v.at[j]], bufv.at[0],
                         sems.at[0]).wait()
        pltpu.sync_copy(bufv.at[0], acc.at[dst_v.at[j]], add=True)
        return carry

      lax.fori_loop(0, KB, body, 0, unroll=False)
    else:
      for b in range(DEP):
        pltpu.async_copy(rows_hbm.at[src_v.at[b]], bufv.at[b], sems.at[b])

      def body(i, carry):
        for b in range(DEP):
          j = DEP * i + b
          pltpu.make_async_copy(rows_hbm.at[src_v.at[j]], bufv.at[b],
                                sems.at[b]).wait()
          pltpu.sync_copy(bufv.at[b], acc.at[dst_v.at[j]], add=True)
          jc = jnp.minimum(j + DEP, KB - 1)
          pltpu.async_copy(rows_hbm.at[src_v.at[jc]], bufv.at[b],
                           sems.at[b])
        return carry

      lax.fori_loop(0, KB // DEP, body, 0, unroll=False)
      for b in range(DEP):
        pltpu.make_async_copy(rows_hbm.at[src_v.at[0]], bufv.at[b],
                              sems.at[b]).wait()
    plsc.subcore_barrier()
    pltpu.sync_copy(acc.at[pl.ds(t * RPS, RPS)],
                    out_hbm.at[c, pl.ds(t * RPS, RPS)])

  return seg


def kernel(X, edge_index, eps_noise, param, Wu, bu, eps_u,
           Wmu, bmu, eps_mu, Wsig, bsig, eps_sig, rk_logit):
  f32 = jnp.float32
  S, N, NOISE = eps_noise.shape
  D = X.shape[2]
  E = edge_index.shape[1]
  DU = Wu.shape[1]
  DZ = Wmu.shape[1]
  J = param.shape[0]
  K = S - J

  Xr = X[0]
  Wux, Wun = Wu[:D], Wu[D:]
  Wmx, Wmh = Wmu[:D], Wmu[D:]
  Wsx, Wsh = Wsig[:D], Wsig[D:]

  src = edge_index[0]
  dst = edge_index[1]
  NA = -(-N // 128) * 128
  zero_na = jnp.zeros((NA, _AW), f32)
  zpad = jnp.zeros((8, _AW), f32)

  BN = 1000
  GN = N // BN

  NZ2 = jnp.concatenate([eps_noise[0], eps_noise[1]], axis=1)
  T1 = jnp.concatenate([Xr, NZ2, zpad], axis=0)
  KB1 = -(-E // (_NS * _EB))
  per1 = _NS * KB1 * _EB
  s1 = jnp.concatenate([src, jnp.full((per1 - E,), 2 * N, jnp.int32)])
  s1 = jnp.concatenate([s1, jnp.where(s1 < N, s1 + N, s1)])
  src1 = s1.reshape(2, _NS, KB1, _EB)
  d1 = jnp.concatenate([dst, jnp.zeros((per1 - E,), jnp.int32)])
  dst1 = jnp.concatenate([d1, d1]).reshape(2, _NS, KB1, _EB)

  seg1 = _segsum_kernel(2 * N + 8, N, KB1)
  Agg1 = seg1(T1, src1, dst1, zero_na)

  eps3 = jnp.stack([eps_u, eps_mu, eps_sig]).reshape(3, 1)
  bu2 = jnp.reshape(bu, (1, DU))
  bmg = jnp.concatenate([bmu, bsig]).reshape(1, 2 * DZ)

  def sA_body(eps_ref, x_ref, ax_ref, anz_ref, nz_ref, wux_ref, wun_ref,
              wmx_ref, wsx_ref, bu_ref, bmg_ref, h2_ref, pmg_ref):
    eu = 1.0 + eps_ref[0, 0]
    em = 1.0 + eps_ref[1, 0]
    es = 1.0 + eps_ref[2, 0]
    x = x_ref[...]
    ax = ax_ref[0]
    t1u = eu * x + ax
    au = jnp.dot(t1u, wux_ref[...], preferred_element_type=f32)
    hs = []
    for s in range(S):
      t1n = eu * nz_ref[s] + anz_ref[0][:, s * NOISE:(s + 1) * NOISE]
      h = jnp.maximum(au + jnp.dot(t1n, wun_ref[...],
                                   preferred_element_type=f32) + bu_ref[...],
                      0.0)
      hs.append(h)
    hs.append(jnp.zeros((x.shape[0], _AW - S * DU), f32))
    h2_ref[...] = jnp.concatenate(hs, axis=1)
    pm = jnp.dot(em * x + ax, wmx_ref[...], preferred_element_type=f32)
    pg = jnp.dot(es * x + ax, wsx_ref[...], preferred_element_type=f32)
    pmg_ref[...] = jnp.concatenate([pm, pg], axis=1) + bmg_ref[...]

  H2, PMG = pl.pallas_call(
      sA_body,
      grid=(GN,),
      in_specs=[
          pl.BlockSpec(memory_space=pltpu.SMEM),
          pl.BlockSpec((BN, D), lambda i: (i, 0)),
          pl.BlockSpec((1, BN, _AW), lambda i: (0, i, 0)),
          pl.BlockSpec((1, BN, _AW), lambda i: (1, i, 0)),
          pl.BlockSpec((S, BN, NOISE), lambda i: (0, i, 0)),
          pl.BlockSpec((D, DU), lambda i: (0, 0)),
          pl.BlockSpec((NOISE, DU), lambda i: (0, 0)),
          pl.BlockSpec((D, DZ), lambda i: (0, 0)),
          pl.BlockSpec((D, DZ), lambda i: (0, 0)),
          pl.BlockSpec((1, DU), lambda i: (0, 0)),
          pl.BlockSpec((1, 2 * DZ), lambda i: (0, 0)),
      ],
      out_specs=[
          pl.BlockSpec((BN, _AW), lambda i: (i, 0)),
          pl.BlockSpec((BN, 2 * DZ), lambda i: (i, 0)),
      ],
      out_shape=[
          jax.ShapeDtypeStruct((N, _AW), f32),
          jax.ShapeDtypeStruct((N, 2 * DZ), f32),
      ],
  )(eps3, Xr, Agg1, Agg1, eps_noise, Wux, Wun, Wmx, Wsx, bu2, bmg)

  T2 = jnp.concatenate([H2, zpad], axis=0)
  KB2 = -(-(-(-E // (2 * _NS * _EB))) // 2) * 2
  total2 = 2 * _NS * KB2 * _EB
  s2 = jnp.concatenate([src, jnp.full((total2 - E,), N, jnp.int32)])
  d2 = jnp.concatenate([dst, jnp.zeros((total2 - E,), jnp.int32)])
  src2 = s2.reshape(2, _NS, KB2, _EB)
  dst2 = d2.reshape(2, _NS, KB2, _EB)
  seg2 = _segsum_kernel(N + 8, N, KB2, DEP=2)
  Agg2 = seg2(T2, src2, dst2, zero_na)

  rkl2 = jnp.reshape(rk_logit, (1, DZ))

  def sB_body(eps_ref, h2_ref, a2a_ref, a2b_ref, pmg_ref, wmh_ref, wsh_ref,
              par_ref, rkl_ref, mu_ref, sg_ref, z_ref, zr_ref):
    em = 1.0 + eps_ref[1, 0]
    es = 1.0 + eps_ref[2, 0]
    ah_full = a2a_ref[0] + a2b_ref[0]
    rk = jax.nn.sigmoid(rkl_ref[...])
    pmg = pmg_ref[...]
    for s in range(S):
      h = h2_ref[:, s * DU:(s + 1) * DU]
      ah = ah_full[:, s * DU:(s + 1) * DU]
      m = pmg[:, :DZ] + jnp.dot(em * h + ah, wmh_ref[...],
                                preferred_element_type=f32)
      g = pmg[:, DZ:] + jnp.dot(es * h + ah, wsh_ref[...],
                                preferred_element_type=f32)
      sg = jnp.exp(g * 0.5)
      mu_ref[s] = m
      sg_ref[s] = sg
      if s >= K:
        j = s - K
        z = par_ref[j] * sg + m
        z_ref[j] = z
        zr_ref[j] = z * rk

  mu, sigma, Z, ZR = pl.pallas_call(
      sB_body,
      grid=(GN,),
      in_specs=[
          pl.BlockSpec(memory_space=pltpu.SMEM),
          pl.BlockSpec((BN, _AW), lambda i: (i, 0)),
          pl.BlockSpec((1, BN, _AW), lambda i: (0, i, 0)),
          pl.BlockSpec((1, BN, _AW), lambda i: (1, i, 0)),
          pl.BlockSpec((BN, 2 * DZ), lambda i: (i, 0)),
          pl.BlockSpec((DU, DZ), lambda i: (0, 0)),
          pl.BlockSpec((DU, DZ), lambda i: (0, 0)),
          pl.BlockSpec((J, BN, DZ), lambda i: (0, i, 0)),
          pl.BlockSpec((1, DZ), lambda i: (0, 0)),
      ],
      out_specs=[
          pl.BlockSpec((S, BN, DZ), lambda i: (0, i, 0)),
          pl.BlockSpec((S, BN, DZ), lambda i: (0, i, 0)),
          pl.BlockSpec((J, BN, DZ), lambda i: (0, i, 0)),
          pl.BlockSpec((J, BN, DZ), lambda i: (0, i, 0)),
      ],
      out_shape=[
          jax.ShapeDtypeStruct((S, N, DZ), f32),
          jax.ShapeDtypeStruct((S, N, DZ), f32),
          jax.ShapeDtypeStruct((J, N, DZ), f32),
          jax.ShapeDtypeStruct((J, N, DZ), f32),
      ],
  )(eps3, H2, Agg2, Agg2, PMG, Wmh, Wsh, param, rkl2)

  TM = 400
  GM = N // TM

  def dec_body(z_ref, zr_ref, out_ref):
    l = lax.dot_general(z_ref[0], zr_ref[0], (((1,), (1,)), ((), ())),
                        preferred_element_type=f32)
    l = jnp.minimum(l, 10.0)
    out_ref[0] = 1.0 - jnp.exp(-jnp.exp(l))

  adj = pl.pallas_call(
      dec_body,
      grid=(J, GM),
      in_specs=[
          pl.BlockSpec((1, TM, DZ), lambda a, i: (a, i, 0)),
          pl.BlockSpec((1, N, DZ), lambda a, i: (a, 0, 0)),
      ],
      out_specs=pl.BlockSpec((1, TM, N), lambda a, i: (a, i, 0)),
      out_shape=jax.ShapeDtypeStruct((J, N, N), f32),
      compiler_params=pltpu.CompilerParams(
          dimension_semantics=("parallel", "parallel")),
  )(Z, ZR)

  return (adj, mu, sigma, Z)

# --- scband reference (transcript-rebuilt; emitter-appended) ---
"""Pipeline reference for scband-sigvae-gin-70257075028337 (READ-ONLY COPY).

The authoritative reference and input builder live on the scoring server;
editing this copy changes nothing except your own understanding.
"""

import jax, jax.numpy as jnp
import numpy as np

N = 10000
D = 128
E = 160000
NOISE = 64
DU = 32
DZ = 16
K = 1
J = 1
S = K + J

def setup_inputs(seed: int = 0) -> dict:
    key = jax.random.key(seed)
    ks = jax.random.split(key, 16)
    X = jax.random.normal(ks[0], (1, N, D), dtype=jnp.float32)
    edge_index = jax.random.randint(ks[1], (2, E), 0, N, dtype=jnp.int32)
    # Bernoulli(0.5) noise for GINWithNoise, passed explicitly for determinism
    eps_noise = (jax.random.uniform(ks[2], (S, N, NOISE)) < 0.5).astype(jnp.float32)
    # standard normal reparameterization noise (torch.randn_like)
    param = jax.random.normal(ks[3], (J, N, DZ), dtype=jnp.float32)
    lim_u = 1.0 / np.sqrt(D + NOISE)
    Wu = jax.random.uniform(ks[4], (D + NOISE, DU), minval=-lim_u, maxval=lim_u, dtype=jnp.float32)
    bu = jax.random.uniform(ks[5], (DU,), minval=-lim_u, maxval=lim_u, dtype=jnp.float32)
    eps_u = jnp.zeros((), dtype=jnp.float32)
    lim_m = 1.0 / np.sqrt(D + DU)
    Wmu = jax.random.uniform(ks[6], (D + DU, DZ), minval=-lim_m, maxval=lim_m, dtype=jnp.float32)
    bmu = jax.random.uniform(ks[7], (DZ,), minval=-lim_m, maxval=lim_m, dtype=jnp.float32)
    eps_mu = jnp.zeros((), dtype=jnp.float32)
    Wsig = jax.random.uniform(ks[8], (D + DU, DZ), minval=-lim_m, maxval=lim_m, dtype=jnp.float32)
    bsig = jax.random.uniform(ks[9], (DZ,), minval=-lim_m, maxval=lim_m, dtype=jnp.float32)
    eps_sig = jnp.zeros((), dtype=jnp.float32)
    # BPDecoder re-initializes rk_logit ~ U(-6, 0) inside runDecoder
    rk_logit = jax.random.uniform(ks[10], (DZ,), minval=-6.0, maxval=0.0, dtype=jnp.float32)
    return {"X": X, "edge_index": edge_index, "eps_noise": eps_noise, "param": param,
            "Wu": Wu, "bu": bu, "eps_u": eps_u,
            "Wmu": Wmu, "bmu": bmu, "eps_mu": eps_mu,
            "Wsig": Wsig, "bsig": bsig, "eps_sig": eps_sig,
            "rk_logit": rk_logit}

def reference(X, edge_index, eps_noise, param, Wu, bu, eps_u, Wmu, bmu, eps_mu, Wsig, bsig, eps_sig, rk_logit):
    src = edge_index[0]
    dst = edge_index[1]

    def gin(x, eps, W, b):
        # dgl GINConv, aggregator_type='sum': apply_func((1+eps)*x + sum_{u->v} x_u)
        agg = jax.ops.segment_sum(x[src], dst, num_segments=N)
        return ((1.0 + eps) * x + agg) @ W + b

    Xe = jnp.broadcast_to(X, (S, N, D))
    # GINWithNoise: concat(X, bernoulli noise), 1 GIN layer with relu activation
    temp = jnp.concatenate([Xe, eps_noise], axis=2)
    h = jax.vmap(lambda t: jax.nn.relu(gin(t, eps_u, Wu, bu)))(temp)
    h = jax.nn.relu(h)  # outer self.activation(outputTensor)
    # GINWithoutNoise for mu and sigma: concat(X, h), identity activation
    temp2 = jnp.concatenate([Xe, h], axis=2)
    mu = jax.vmap(lambda t: gin(t, eps_mu, Wmu, bmu))(temp2)
    sigma = jax.vmap(lambda t: gin(t, eps_sig, Wsig, bsig))(temp2)
    sigma = jnp.exp(sigma * 0.5)
    # reparameterize using last J samples
    Z = param * sigma[K:] + mu[K:]
    # BPDecoder.runDecoder
    rk = jax.nn.sigmoid(rk_logit)
    Xt = rk[None, :, None] * jnp.swapaxes(Z, 1, 2)  # diag(rk) @ Z^T, tiled over J
    logits = jnp.minimum(jnp.matmul(Z, Xt), 10.0)  # clamp(max=10)
    adj_recon = 1.0 - jnp.exp(-jnp.exp(logits))
    return (adj_recon, mu, sigma, Z)

if __name__ == "__main__":
    import jax
    _d = setup_inputs()
    print(jax.jit(kernel)(*tuple(_d.values())))

</pallas_src>

<mosaic_0001>
#map = affine_map<(d0, d1) -> (0, 0)>
#map1 = affine_map<(d0, d1) -> (0, 0, 0, 0)>
#map2 = affine_map<(d0, d1) -> (0, 0, 0)>
module attributes {stable_mosaic.version = 14 : i64} {
  func.func @seg(%arg0: i32, %arg1: i32, %arg2: memref<20008x128xf32, #tpu.memory_space<hbm>>, %arg3: memref<2x16x79x128xi32, #tpu.memory_space<hbm>>, %arg4: memref<2x16x79x128xi32, #tpu.memory_space<hbm>>, %arg5: memref<10112x128xf32, #tpu.memory_space<hbm>>, %arg6: memref<2x10112x128xf32, #tpu.memory_space<hbm>>, %arg7: memref<79x128xi32, #tpu.memory_space<vmem>>, %arg8: memref<79x128xi32, #tpu.memory_space<vmem>>, %arg9: memref<1x128x128xf32, #tpu.memory_space<vmem>>, %arg10: memref<10112x128xf32, #tpu.memory_space<vmem_shared>>, %arg11: memref<1x!tpu.dma_semaphore, #tpu.memory_space<semaphore_mem>>) attributes {dimension_semantics = [#tpu.dimension_semantics<core_parallel>, #tpu.dimension_semantics<subcore_parallel>], iteration_bounds = array<i64: 2, 16>, scalar_prefetch = 0 : i64, scratch_operands = 5 : i64, tpu.core_type = #tpu.core_type<sc_vector_subcore>, window_params = [{transform_indices = #map}, {transform_indices = #map1}, {transform_indices = #map1}, {transform_indices = #map}, {transform_indices = #map2}]} {
    "tpu.region"() ({
      %run_scoped3A = tpu.sem_alloc : memref<!tpu.dma_semaphore, #tpu.memory_space<semaphore_mem>>
      %dma_start3A = arith.constant 0 : i32
      %dma_start3A_13 = arith.constant 0 : i32
      %dma_start3A_14 = tpu.memref_slice %arg3[%arg0, %arg1, %dma_start3A, %dma_start3A_13] : memref<2x16x79x128xi32, #tpu.memory_space<hbm>> -> memref<1x1x79x128xi32, #tpu.memory_space<hbm>>
      %dma_start3A_15 = tpu.memref_squeeze %dma_start3A_14 : memref<1x1x79x128xi32, #tpu.memory_space<hbm>> -> memref<79x128xi32, #tpu.memory_space<hbm>>
      %dma_start3A_16 = arith.constant 0 : i32
      %dma_start3A_17 = arith.constant 0 : i32
      %dma_start3A_18 = tpu.memref_slice %arg3[%arg0, %arg1, %dma_start3A_16, %dma_start3A_17] : memref<2x16x79x128xi32, #tpu.memory_space<hbm>> -> memref<1x1x79x128xi32, #tpu.memory_space<hbm>>
      %dma_start3A_19 = tpu.memref_squeeze %dma_start3A_18 : memref<1x1x79x128xi32, #tpu.memory_space<hbm>> -> memref<79x128xi32, #tpu.memory_space<hbm>>
      tpu.enqueue_dma source(%dma_start3A_19 : memref<79x128xi32, #tpu.memory_space<hbm>>) target(%arg7 : memref<79x128xi32, #tpu.memory_space<vmem>>) target_semaphore(%run_scoped3A : memref<!tpu.dma_semaphore, #tpu.memory_space<semaphore_mem>>)
      %dma_wait3A = arith.constant 0 : i32
      %dma_wait3A_20 = arith.constant 0 : i32
      %dma_wait3A_21 = tpu.memref_slice %arg3[%arg0, %arg1, %dma_wait3A, %dma_wait3A_20] : memref<2x16x79x128xi32, #tpu.memory_space<hbm>> -> memref<1x1x79x128xi32, #tpu.memory_space<hbm>>
      %dma_wait3A_22 = tpu.memref_squeeze %dma_wait3A_21 : memref<1x1x79x128xi32, #tpu.memory_space<hbm>> -> memref<79x128xi32, #tpu.memory_space<hbm>>
      %dma_wait3A_23 = arith.constant 0 : i32
      %dma_wait3A_24 = arith.constant 0 : i32
      %dma_wait3A_25 = tpu.memref_slice %arg3[%arg0, %arg1, %dma_wait3A_23, %dma_wait3A_24] : memref<2x16x79x128xi32, #tpu.memory_space<hbm>> -> memref<1x1x79x128xi32, #tpu.memory_space<hbm>>
      %dma_wait3A_26 = tpu.memref_squeeze %dma_wait3A_25 : memref<1x1x79x128xi32, #tpu.memory_space<hbm>> -> memref<79x128xi32, #tpu.memory_space<hbm>>
      tpu.wait_dma2 semaphore(%run_scoped3A : memref<!tpu.dma_semaphore, #tpu.memory_space<semaphore_mem>>) src(%dma_wait3A_26 : memref<79x128xi32, #tpu.memory_space<hbm>>) dst(%arg7 : memref<79x128xi32, #tpu.memory_space<vmem>>)
      tpu.yield
    }) : () -> ()
    "tpu.region"() ({
      %run_scoped3A = tpu.sem_alloc : memref<!tpu.dma_semaphore, #tpu.memory_space<semaphore_mem>>
      %dma_start3A = arith.constant 0 : i32
      %dma_start3A_13 = arith.constant 0 : i32
      %dma_start3A_14 = tpu.memref_slice %arg4[%arg0, %arg1, %dma_start3A, %dma_start3A_13] : memref<2x16x79x128xi32, #tpu.memory_space<hbm>> -> memref<1x1x79x128xi32, #tpu.memory_space<hbm>>
      %dma_start3A_15 = tpu.memref_squeeze %dma_start3A_14 : memref<1x1x79x128xi32, #tpu.memory_space<hbm>> -> memref<79x128xi32, #tpu.memory_space<hbm>>
      %dma_start3A_16 = arith.constant 0 : i32
      %dma_start3A_17 = arith.constant 0 : i32
      %dma_start3A_18 = tpu.memref_slice %arg4[%arg0, %arg1, %dma_start3A_16, %dma_start3A_17] : memref<2x16x79x128xi32, #tpu.memory_space<hbm>> -> memref<1x1x79x128xi32, #tpu.memory_space<hbm>>
      %dma_start3A_19 = tpu.memref_squeeze %dma_start3A_18 : memref<1x1x79x128xi32, #tpu.memory_space<hbm>> -> memref<79x128xi32, #tpu.memory_space<hbm>>
      tpu.enqueue_dma source(%dma_start3A_19 : memref<79x128xi32, #tpu.memory_space<hbm>>) target(%arg8 : memref<79x128xi32, #tpu.memory_space<vmem>>) target_semaphore(%run_scoped3A : memref<!tpu.dma_semaphore, #tpu.memory_space<semaphore_mem>>)
      %dma_wait3A = arith.constant 0 : i32
      %dma_wait3A_20 = arith.constant 0 : i32
      %dma_wait3A_21 = tpu.memref_slice %arg4[%arg0, %arg1, %dma_wait3A, %dma_wait3A_20] : memref<2x16x79x128xi32, #tpu.memory_space<hbm>> -> memref<1x1x79x128xi32, #tpu.memory_space<hbm>>
      %dma_wait3A_22 = tpu.memref_squeeze %dma_wait3A_21 : memref<1x1x79x128xi32, #tpu.memory_space<hbm>> -> memref<79x128xi32, #tpu.memory_space<hbm>>
      %dma_wait3A_23 = arith.constant 0 : i32
      %dma_wait3A_24 = arith.constant 0 : i32
      %dma_wait3A_25 = tpu.memref_slice %arg4[%arg0, %arg1, %dma_wait3A_23, %dma_wait3A_24] : memref<2x16x79x128xi32, #tpu.memory_space<hbm>> -> memref<1x1x79x128xi32, #tpu.memory_space<hbm>>
      %dma_wait3A_26 = tpu.memref_squeeze %dma_wait3A_25 : memref<1x1x79x128xi32, #tpu.memory_space<hbm>> -> memref<79x128xi32, #tpu.memory_space<hbm>>
      tpu.wait_dma2 semaphore(%run_scoped3A : memref<!tpu.dma_semaphore, #tpu.memory_space<semaphore_mem>>) src(%dma_wait3A_26 : memref<79x128xi32, #tpu.memory_space<hbm>>) dst(%arg8 : memref<79x128xi32, #tpu.memory_space<vmem>>)
      tpu.yield
    }) : () -> ()
    %mul3A = arith.constant 632 : i32
    %mul3A_0 = arith.muli %arg1, %mul3A : i32
    %mul3A_1 = arith.constant 632 : i32
    %mul3A_2 = arith.muli %arg1, %mul3A_1 : i32
    "tpu.region"() ({
      %run_scoped3A = tpu.sem_alloc : memref<!tpu.dma_semaphore, #tpu.memory_space<semaphore_mem>>
      %dma_start3A = arith.constant 0 : i32
      %dma_start3A_13 = tpu.memref_slice %arg10[%mul3A_2, %dma_start3A] : memref<10112x128xf32, #tpu.memory_space<vmem_shared>> -> memref<632x128xf32, #tpu.memory_space<vmem_shared>>
      %dma_start3A_14 = arith.constant 0 : i32
      %dma_start3A_15 = tpu.memref_slice %arg5[%mul3A_0, %dma_start3A_14] : memref<10112x128xf32, #tpu.memory_space<hbm>> -> memref<632x128xf32, #tpu.memory_space<hbm>>
      tpu.enqueue_dma source(%dma_start3A_15 : memref<632x128xf32, #tpu.memory_space<hbm>>) target(%dma_start3A_13 : memref<632x128xf32, #tpu.memory_space<vmem_shared>>) target_semaphore(%run_scoped3A : memref<!tpu.dma_semaphore, #tpu.memory_space<semaphore_mem>>)
      %dma_wait3A = arith.constant 0 : i32
      %dma_wait3A_16 = tpu.memref_slice %arg10[%mul3A_2, %dma_wait3A] : memref<10112x128xf32, #tpu.memory_space<vmem_shared>> -> memref<632x128xf32, #tpu.memory_space<vmem_shared>>
      %dma_wait3A_17 = arith.constant 0 : i32
      %dma_wait3A_18 = tpu.memref_slice %arg5[%mul3A_0, %dma_wait3A_17] : memref<10112x128xf32, #tpu.memory_space<hbm>> -> memref<632x128xf32, #tpu.memory_space<hbm>>
      tpu.wait_dma2 semaphore(%run_scoped3A : memref<!tpu.dma_semaphore, #tpu.memory_space<semaphore_mem>>) src(%dma_wait3A_18 : memref<632x128xf32, #tpu.memory_space<hbm>>) dst(%dma_wait3A_16 : memref<632x128xf32, #tpu.memory_space<vmem_shared>>)
      tpu.yield
    }) : () -> ()
    %barrier3A = arith.constant 0 : index
    tpu.barrier barrier_id(%barrier3A)
    %scan3A = arith.constant 0 : i32
    %scan3A_3 = arith.constant 0 : i32
    %scan3A_4 = arith.constant 79 : i32
    %scan3A_5 = arith.addi %scan3A_3, %scan3A_4 : i32
    %scan3A_6 = arith.constant 1 : i32
    scf.for %scan3A_13 = %scan3A_3 to %scan3A_5 step %scan3A_6  : i32 {
      %dma_start3A = arith.constant 0 : i32
      %dma_start3A_14 = arith.constant 0 : i32
      %dma_start3A_15 = arith.constant 0 : i32
      %dma_start3A_16 = arith.constant 0 : i32
      %dma_start3A_17 = tpu.memref_slice %arg9[%dma_start3A, %dma_start3A_15, %dma_start3A_16] : memref<1x128x128xf32, #tpu.memory_space<vmem>> -> memref<1x128x128xf32, #tpu.memory_space<vmem>>
      %dma_start3A_18 = tpu.memref_squeeze %dma_start3A_17 : memref<1x128x128xf32, #tpu.memory_space<vmem>> -> memref<128x128xf32, #tpu.memory_space<vmem>>
      %dma_start3A_19 = arith.constant 0 : i32
      %dma_start3A_20 = tpu.memref_slice %arg7[%scan3A_13, %dma_start3A_19] : memref<79x128xi32, #tpu.memory_space<vmem>> -> memref<1x128xi32, #tpu.memory_space<vmem>>
      %dma_start3A_21 = tpu.memref_squeeze %dma_start3A_20 : memref<1x128xi32, #tpu.memory_space<vmem>> -> memref<128xi32, #tpu.memory_space<vmem>>
      %dma_start3A_22 = arith.constant 0 : i32
      %dma_start3A_23 = arith.constant 0 : i32
      %dma_start3A_24 = tpu.memref_slice %arg2[%dma_start3A_22, %dma_start3A_23] : memref<20008x128xf32, #tpu.memory_space<hbm>> -> memref<20008x128xf32, #tpu.memory_space<hbm>>
      %dma_start3A_25 = tpu.memref_slice %arg11[%dma_start3A_14] : memref<1x!tpu.dma_semaphore, #tpu.memory_space<semaphore_mem>> -> memref<1x!tpu.dma_semaphore, #tpu.memory_space<semaphore_mem>>
      %dma_start3A_26 = tpu.memref_squeeze %dma_start3A_25 : memref<1x!tpu.dma_semaphore, #tpu.memory_space<semaphore_mem>> -> memref<!tpu.dma_semaphore, #tpu.memory_space<semaphore_mem>>
      tpu.enqueue_indirect_dma source(%dma_start3A_24 : memref<20008x128xf32, #tpu.memory_space<hbm>>) target(%dma_start3A_18 : memref<128x128xf32, #tpu.memory_space<vmem>>) offsets(%dma_start3A_21 : memref<128xi32, #tpu.memory_space<vmem>>) semaphore(%dma_start3A_26 : memref<!tpu.dma_semaphore, #tpu.memory_space<semaphore_mem>>)
      %dma_wait3A = arith.constant 0 : i32
      %dma_wait3A_27 = arith.constant 0 : i32
      %dma_wait3A_28 = arith.constant 0 : i32
      %dma_wait3A_29 = arith.constant 0 : i32
      %dma_wait3A_30 = tpu.memref_slice %arg9[%dma_wait3A, %dma_wait3A_28, %dma_wait3A_29] : memref<1x128x128xf32, #tpu.memory_space<vmem>> -> memref<1x128x128xf32, #tpu.memory_space<vmem>>
      %dma_wait3A_31 = tpu.memref_squeeze %dma_wait3A_30 : memref<1x128x128xf32, #tpu.memory_space<vmem>> -> memref<128x128xf32, #tpu.memory_space<vmem>>
      %dma_wait3A_32 = arith.constant 0 : i32
      %dma_wait3A_33 = tpu.memref_slice %arg7[%scan3A_13, %dma_wait3A_32] : memref<79x128xi32, #tpu.memory_space<vmem>> -> memref<1x128xi32, #tpu.memory_space<vmem>>
      %dma_wait3A_34 = tpu.memref_squeeze %dma_wait3A_33 : memref<1x128xi32, #tpu.memory_space<vmem>> -> memref<128xi32, #tpu.memory_space<vmem>>
      %dma_wait3A_35 = arith.constant 0 : i32
      %dma_wait3A_36 = arith.constant 0 : i32
      %dma_wait3A_37 = tpu.memref_slice %arg2[%dma_wait3A_35, %dma_wait3A_36] : memref<20008x128xf32, #tpu.memory_space<hbm>> -> memref<20008x128xf32, #tpu.memory_space<hbm>>
      %dma_wait3A_38 = tpu.memref_slice %arg11[%dma_wait3A_27] : memref<1x!tpu.dma_semaphore, #tpu.memory_space<semaphore_mem>> -> memref<1x!tpu.dma_semaphore, #tpu.memory_space<semaphore_mem>>
      %dma_wait3A_39 = tpu.memref_squeeze %dma_wait3A_38 : memref<1x!tpu.dma_semaphore, #tpu.memory_space<semaphore_mem>> -> memref<!tpu.dma_semaphore, #tpu.memory_space<semaphore_mem>>
      tpu.wait_indirect_dma semaphore(%dma_wait3A_39 : memref<!tpu.dma_semaphore, #tpu.memory_space<semaphore_mem>>) src(%dma_wait3A_37 : memref<20008x128xf32, #tpu.memory_space<hbm>>) dst(%dma_wait3A_31 : memref<128x128xf32, #tpu.memory_space<vmem>>)
      %run_scoped3A = arith.constant 0 : i32
      "tpu.region"() ({
        %run_scoped3A_40 = tpu.sem_alloc : memref<!tpu.dma_semaphore, #tpu.memory_space<semaphore_mem>>
        %dma_start3A_41 = arith.constant 0 : i32
        %dma_start3A_42 = arith.constant 0 : i32
        %dma_start3A_43 = tpu.memref_slice %arg9[%run_scoped3A, %dma_start3A_41, %dma_start3A_42] : memref<1x128x128xf32, #tpu.memory_space<vmem>> -> memref<1x128x128xf32, #tpu.memory_space<vmem>>
        %dma_start3A_44 = tpu.memref_squeeze %dma_start3A_43 : memref<1x128x128xf32, #tpu.memory_space<vmem>> -> memref<128x128xf32, #tpu.memory_space<vmem>>
        %dma_start3A_45 = arith.constant 0 : i32
        %dma_start3A_46 = tpu.memref_slice %arg8[%scan3A_13, %dma_start3A_45] : memref<79x128xi32, #tpu.memory_space<vmem>> -> memref<1x128xi32, #tpu.memory_space<vmem>>
        %dma_start3A_47 = tpu.memref_squeeze %dma_start3A_46 : memref<1x128xi32, #tpu.memory_space<vmem>> -> memref<128xi32, #tpu.memory_space<vmem>>
        %dma_start3A_48 = arith.constant 0 : i32
        %dma_start3A_49 = arith.constant 0 : i32
        %dma_start3A_50 = tpu.memref_slice %arg10[%dma_start3A_48, %dma_start3A_49] : memref<10112x128xf32, #tpu.memory_space<vmem_shared>> -> memref<10112x128xf32, #tpu.memory_space<vmem_shared>>
        tpu.enqueue_indirect_dma source(%dma_start3A_44 : memref<128x128xf32, #tpu.memory_space<vmem>>) target(%dma_start3A_50 : memref<10112x128xf32, #tpu.memory_space<vmem_shared>>) offsets(%dma_start3A_47 : memref<128xi32, #tpu.memory_space<vmem>>) semaphore(%run_scoped3A_40 : memref<!tpu.dma_semaphore, #tpu.memory_space<semaphore_mem>>) {add = true}
        %dma_wait3A_51 = arith.constant 0 : i32
        %dma_wait3A_52 = arith.constant 0 : i32
        %dma_wait3A_53 = tpu.memref_slice %arg9[%run_scoped3A, %dma_wait3A_51, %dma_wait3A_52] : memref<1x128x128xf32, #tpu.memory_space<vmem>> -> memref<1x128x128xf32, #tpu.memory_space<vmem>>
        %dma_wait3A_54 = tpu.memref_squeeze %dma_wait3A_53 : memref<1x128x128xf32, #tpu.memory_space<vmem>> -> memref<128x128xf32, #tpu.memory_space<vmem>>
        %dma_wait3A_55 = arith.constant 0 : i32
        %dma_wait3A_56 = tpu.memref_slice %arg8[%scan3A_13, %dma_wait3A_55] : memref<79x128xi32, #tpu.memory_space<vmem>> -> memref<1x128xi32, #tpu.memory_space<vmem>>
        %dma_wait3A_57 = tpu.memref_squeeze %dma_wait3A_56 : memref<1x128xi32, #tpu.memory_space<vmem>> -> memref<128xi32, #tpu.memory_space<vmem>>
        %dma_wait3A_58 = arith.constant 0 : i32
        %dma_wait3A_59 = arith.constant 0 : i32
        %dma_wait3A_60 = tpu.memref_slice %arg10[%dma_wait3A_58, %dma_wait3A_59] : memref<10112x128xf32, #tpu.memory_space<vmem_shared>> -> memref<10112x128xf32, #tpu.memory_space<vmem_shared>>
        tpu.wait_indirect_dma semaphore(%run_scoped3A_40 : memref<!tpu.dma_semaphore, #tpu.memory_space<semaphore_mem>>) src(%dma_wait3A_54 : memref<128x128xf32, #tpu.memory_space<vmem>>) dst(%dma_wait3A_60 : memref<10112x128xf32, #tpu.memory_space<vmem_shared>>)
        tpu.yield
      }) : () -> ()
    }
    %scan3A_7 = arith.constant 79 : i32
    %barrier3A_8 = arith.constant 0 : index
    tpu.barrier barrier_id(%barrier3A_8)
    %mul3A_9 = arith.constant 632 : i32
    %mul3A_10 = arith.muli %arg1, %mul3A_9 : i32
    %mul3A_11 = arith.constant 632 : i32
    %mul3A_12 = arith.muli %arg1, %mul3A_11 : i32
    "tpu.region"() ({
      %run_scoped3A = tpu.sem_alloc : memref<!tpu.dma_semaphore, #tpu.memory_space<semaphore_mem>>
      %dma_start3A = arith.constant 0 : i32
      %dma_start3A_13 = tpu.memref_slice %arg6[%arg0, %mul3A_12, %dma_start3A] : memref<2x10112x128xf32, #tpu.memory_space<hbm>> -> memref<1x632x128xf32, #tpu.memory_space<hbm>>
      %dma_start3A_14 = tpu.memref_squeeze %dma_start3A_13 : memref<1x632x128xf32, #tpu.memory_space<hbm>> -> memref<632x128xf32, #tpu.memory_space<hbm>>
      %dma_start3A_15 = arith.constant 0 : i32
      %dma_start3A_16 = tpu.memref_slice %arg10[%mul3A_10, %dma_start3A_15] : memref<10112x128xf32, #tpu.memory_space<vmem_shared>> -> memref<632x128xf32, #tpu.memory_space<vmem_shared>>
      tpu.enqueue_dma source(%dma_start3A_16 : memref<632x128xf32, #tpu.memory_space<vmem_shared>>) target(%dma_start3A_14 : memref<632x128xf32, #tpu.memory_space<hbm>>) target_semaphore(%run_scoped3A : memref<!tpu.dma_semaphore, #tpu.memory_space<semaphore_mem>>)
      %dma_wait3A = arith.constant 0 : i32
      %dma_wait3A_17 = tpu.memref_slice %arg6[%arg0, %mul3A_12, %dma_wait3A] : memref<2x10112x128xf32, #tpu.memory_space<hbm>> -> memref<1x632x128xf32, #tpu.memory_space<hbm>>
      %dma_wait3A_18 = tpu.memref_squeeze %dma_wait3A_17 : memref<1x632x128xf32, #tpu.memory_space<hbm>> -> memref<632x128xf32, #tpu.memory_space<hbm>>
      %dma_wait3A_19 = arith.constant 0 : i32
      %dma_wait3A_20 = tpu.memref_slice %arg10[%mul3A_10, %dma_wait3A_19] : memref<10112x128xf32, #tpu.memory_space<vmem_shared>> -> memref<632x128xf32, #tpu.memory_space<vmem_shared>>
      tpu.wait_dma2 semaphore(%run_scoped3A : memref<!tpu.dma_semaphore, #tpu.memory_space<semaphore_mem>>) src(%dma_wait3A_20 : memref<632x128xf32, #tpu.memory_space<vmem_shared>>) dst(%dma_wait3A_18 : memref<632x128xf32, #tpu.memory_space<hbm>>)
      tpu.yield
    }) : () -> ()
    return
  }
}

#map = affine_map<(d0, d1) -> (0, 0)>
#map1 = affine_map<(d0, d1) -> (0, 0, 0, 0)>
#map2 = affine_map<(d0, d1) -> (0, 0, 0)>
module attributes {stable_mosaic.version = 14 : i64} {
  func.func @seg(%arg0: i32, %arg1: i32, %arg2: memref<10008x128xf32, #tpu.memory_space<hbm>>, %arg3: memref<2x16x40x128xi32, #tpu.memory_space<hbm>>, %arg4: memref<2x16x40x128xi32, #tpu.memory_space<hbm>>, %arg5: memref<10112x128xf32, #tpu.memory_space<hbm>>, %arg6: memref<2x10112x128xf32, #tpu.memory_space<hbm>>, %arg7: memref<40x128xi32, #tpu.memory_space<vmem>>, %arg8: memref<40x128xi32, #tpu.memory_space<vmem>>, %arg9: memref<2x128x128xf32, #tpu.memory_space<vmem>>, %arg10: memref<10112x128xf32, #tpu.memory_space<vmem_shared>>, %arg11: memref<2x!tpu.dma_semaphore, #tpu.memory_space<semaphore_mem>>) attributes {dimension_semantics = [#tpu.dimension_semantics<core_parallel>, #tpu.dimension_semantics<subcore_parallel>], iteration_bounds = array<i64: 2, 16>, scalar_prefetch = 0 : i64, scratch_operands = 5 : i64, tpu.core_type = #tpu.core_type<sc_vector_subcore>, window_params = [{transform_indices = #map}, {transform_indices = #map1}, {transform_indices = #map1}, {transform_indices = #map}, {transform_indices = #map2}]} {
    "tpu.region"() ({
      %run_scoped3A = tpu.sem_alloc : memref<!tpu.dma_semaphore, #tpu.memory_space<semaphore_mem>>
      %dma_start3A_71 = arith.constant 0 : i32
      %dma_start3A_72 = arith.constant 0 : i32
      %dma_start3A_73 = tpu.memref_slice %arg3[%arg0, %arg1, %dma_start3A_71, %dma_start3A_72] : memref<2x16x40x128xi32, #tpu.memory_space<hbm>> -> memref<1x1x40x128xi32, #tpu.memory_space<hbm>>
      %dma_start3A_74 = tpu.memref_squeeze %dma_start3A_73 : memref<1x1x40x128xi32, #tpu.memory_space<hbm>> -> memref<40x128xi32, #tpu.memory_space<hbm>>
      %dma_start3A_75 = arith.constant 0 : i32
      %dma_start3A_76 = arith.constant 0 : i32
      %dma_start3A_77 = tpu.memref_slice %arg3[%arg0, %arg1, %dma_start3A_75, %dma_start3A_76] : memref<2x16x40x128xi32, #tpu.memory_space<hbm>> -> memref<1x1x40x128xi32, #tpu.memory_space<hbm>>
      %dma_start3A_78 = tpu.memref_squeeze %dma_start3A_77 : memref<1x1x40x128xi32, #tpu.memory_space<hbm>> -> memref<40x128xi32, #tpu.memory_space<hbm>>
      tpu.enqueue_dma source(%dma_start3A_78 : memref<40x128xi32, #tpu.memory_space<hbm>>) target(%arg7 : memref<40x128xi32, #tpu.memory_space<vmem>>) target_semaphore(%run_scoped3A : memref<!tpu.dma_semaphore, #tpu.memory_space<semaphore_mem>>)
      %dma_wait3A_79 = arith.constant 0 : i32
      %dma_wait3A_80 = arith.constant 0 : i32
      %dma_wait3A_81 = tpu.memref_slice %arg3[%arg0, %arg1, %dma_wait3A_79, %dma_wait3A_80] : memref<2x16x40x128xi32, #tpu.memory_space<hbm>> -> memref<1x1x40x128xi32, #tpu.memory_space<hbm>>
      %dma_wait3A_82 = tpu.memref_squeeze %dma_wait3A_81 : memref<1x1x40x128xi32, #tpu.memory_space<hbm>> -> memref<40x128xi32, #tpu.memory_space<hbm>>
      %dma_wait3A_83 = arith.constant 0 : i32
      %dma_wait3A_84 = arith.constant 0 : i32
      %dma_wait3A_85 = tpu.memref_slice %arg3[%arg0, %arg1, %dma_wait3A_83, %dma_wait3A_84] : memref<2x16x40x128xi32, #tpu.memory_space<hbm>> -> memref<1x1x40x128xi32, #tpu.memory_space<hbm>>
      %dma_wait3A_86 = tpu.memref_squeeze %dma_wait3A_85 : memref<1x1x40x128xi32, #tpu.memory_space<hbm>> -> memref<40x128xi32, #tpu.memory_space<hbm>>
      tpu.wait_dma2 semaphore(%run_scoped3A : memref<!tpu.dma_semaphore, #tpu.memory_space<semaphore_mem>>) src(%dma_wait3A_86 : memref<40x128xi32, #tpu.memory_space<hbm>>) dst(%arg7 : memref<40x128xi32, #tpu.memory_space<vmem>>)
      tpu.yield
    }) : () -> ()
    "tpu.region"() ({
      %run_scoped3A = tpu.sem_alloc : memref<!tpu.dma_semaphore, #tpu.memory_space<semaphore_mem>>
      %dma_start3A_71 = arith.constant 0 : i32
      %dma_start3A_72 = arith.constant 0 : i32
      %dma_start3A_73 = tpu.memref_slice %arg4[%arg0, %arg1, %dma_start3A_71, %dma_start3A_72] : memref<2x16x40x128xi32, #tpu.memory_space<hbm>> -> memref<1x1x40x128xi32, #tpu.memory_space<hbm>>
      %dma_start3A_74 = tpu.memref_squeeze %dma_start3A_73 : memref<1x1x40x128xi32, #tpu.memory_space<hbm>> -> memref<40x128xi32, #tpu.memory_space<hbm>>
      %dma_start3A_75 = arith.constant 0 : i32
      %dma_start3A_76 = arith.constant 0 : i32
      %dma_start3A_77 = tpu.memref_slice %arg4[%arg0, %arg1, %dma_start3A_75, %dma_start3A_76] : memref<2x16x40x128xi32, #tpu.memory_space<hbm>> -> memref<1x1x40x128xi32, #tpu.memory_space<hbm>>
      %dma_start3A_78 = tpu.memref_squeeze %dma_start3A_77 : memref<1x1x40x128xi32, #tpu.memory_space<hbm>> -> memref<40x128xi32, #tpu.memory_space<hbm>>
      tpu.enqueue_dma source(%dma_start3A_78 : memref<40x128xi32, #tpu.memory_space<hbm>>) target(%arg8 : memref<40x128xi32, #tpu.memory_space<vmem>>) target_semaphore(%run_scoped3A : memref<!tpu.dma_semaphore, #tpu.memory_space<semaphore_mem>>)
      %dma_wait3A_79 = arith.constant 0 : i32
      %dma_wait3A_80 = arith.constant 0 : i32
      %dma_wait3A_81 = tpu.memref_slice %arg4[%arg0, %arg1, %dma_wait3A_79, %dma_wait3A_80] : memref<2x16x40x128xi32, #tpu.memory_space<hbm>> -> memref<1x1x40x128xi32, #tpu.memory_space<hbm>>
      %dma_wait3A_82 = tpu.memref_squeeze %dma_wait3A_81 : memref<1x1x40x128xi32, #tpu.memory_space<hbm>> -> memref<40x128xi32, #tpu.memory_space<hbm>>
      %dma_wait3A_83 = arith.constant 0 : i32
      %dma_wait3A_84 = arith.constant 0 : i32
      %dma_wait3A_85 = tpu.memref_slice %arg4[%arg0, %arg1, %dma_wait3A_83, %dma_wait3A_84] : memref<2x16x40x128xi32, #tpu.memory_space<hbm>> -> memref<1x1x40x128xi32, #tpu.memory_space<hbm>>
      %dma_wait3A_86 = tpu.memref_squeeze %dma_wait3A_85 : memref<1x1x40x128xi32, #tpu.memory_space<hbm>> -> memref<40x128xi32, #tpu.memory_space<hbm>>
      tpu.wait_dma2 semaphore(%run_scoped3A : memref<!tpu.dma_semaphore, #tpu.memory_space<semaphore_mem>>) src(%dma_wait3A_86 : memref<40x128xi32, #tpu.memory_space<hbm>>) dst(%arg8 : memref<40x128xi32, #tpu.memory_space<vmem>>)
      tpu.yield
    }) : () -> ()
    %mul3A = arith.constant 632 : i32
    %mul3A_0 = arith.muli %arg1, %mul3A : i32
    %mul3A_1 = arith.constant 632 : i32
    %mul3A_2 = arith.muli %arg1, %mul3A_1 : i32
    "tpu.region"() ({
      %run_scoped3A = tpu.sem_alloc : memref<!tpu.dma_semaphore, #tpu.memory_space<semaphore_mem>>
      %dma_start3A_71 = arith.constant 0 : i32
      %dma_start3A_72 = tpu.memref_slice %arg10[%mul3A_2, %dma_start3A_71] : memref<10112x128xf32, #tpu.memory_space<vmem_shared>> -> memref<632x128xf32, #tpu.memory_space<vmem_shared>>
      %dma_start3A_73 = arith.constant 0 : i32
      %dma_start3A_74 = tpu.memref_slice %arg5[%mul3A_0, %dma_start3A_73] : memref<10112x128xf32, #tpu.memory_space<hbm>> -> memref<632x128xf32, #tpu.memory_space<hbm>>
      tpu.enqueue_dma source(%dma_start3A_74 : memref<632x128xf32, #tpu.memory_space<hbm>>) target(%dma_start3A_72 : memref<632x128xf32, #tpu.memory_space<vmem_shared>>) target_semaphore(%run_scoped3A : memref<!tpu.dma_semaphore, #tpu.memory_space<semaphore_mem>>)
      %dma_wait3A_75 = arith.constant 0 : i32
      %dma_wait3A_76 = tpu.memref_slice %arg10[%mul3A_2, %dma_wait3A_75] : memref<10112x128xf32, #tpu.memory_space<vmem_shared>> -> memref<632x128xf32, #tpu.memory_space<vmem_shared>>
      %dma_wait3A_77 = arith.constant 0 : i32
      %dma_wait3A_78 = tpu.memref_slice %arg5[%mul3A_0, %dma_wait3A_77] : memref<10112x128xf32, #tpu.memory_space<hbm>> -> memref<632x128xf32, #tpu.memory_space<hbm>>
      tpu.wait_dma2 semaphore(%run_scoped3A : memref<!tpu.dma_semaphore, #tpu.memory_space<semaphore_mem>>) src(%dma_wait3A_78 : memref<632x128xf32, #tpu.memory_space<hbm>>) dst(%dma_wait3A_76 : memref<632x128xf32, #tpu.memory_space<vmem_shared>>)
      tpu.yield
    }) : () -> ()
    %barrier3A = arith.constant 0 : index
    tpu.barrier barrier_id(%barrier3A)
    %dma_start3A = arith.constant 0 : i32
    %dma_start3A_3 = arith.constant 0 : i32
    %dma_start3A_4 = arith.constant 0 : i32
    %dma_start3A_5 = arith.constant 0 : i32
    %dma_start3A_6 = arith.constant 0 : i32
    %dma_start3A_7 = tpu.memref_slice %arg9[%dma_start3A_3, %dma_start3A_5, %dma_start3A_6] : memref<2x128x128xf32, #tpu.memory_space<vmem>> -> memref<1x128x128xf32, #tpu.memory_space<vmem>>
    %dma_start3A_8 = tpu.memref_squeeze %dma_start3A_7 : memref<1x128x128xf32, #tpu.memory_space<vmem>> -> memref<128x128xf32, #tpu.memory_space<vmem>>
    %dma_start3A_9 = arith.constant 0 : i32
    %dma_start3A_10 = tpu.memref_slice %arg7[%dma_start3A, %dma_start3A_9] : memref<40x128xi32, #tpu.memory_space<vmem>> -> memref<1x128xi32, #tpu.memory_space<vmem>>
    %dma_start3A_11 = tpu.memref_squeeze %dma_start3A_10 : memref<1x128xi32, #tpu.memory_space<vmem>> -> memref<128xi32, #tpu.memory_space<vmem>>
    %dma_start3A_12 = arith.constant 0 : i32
    %dma_start3A_13 = arith.constant 0 : i32
    %dma_start3A_14 = tpu.memref_slice %arg2[%dma_start3A_12, %dma_start3A_13] : memref<10008x128xf32, #tpu.memory_space<hbm>> -> memref<10008x128xf32, #tpu.memory_space<hbm>>
    %dma_start3A_15 = tpu.memref_slice %arg11[%dma_start3A_4] : memref<2x!tpu.dma_semaphore, #tpu.memory_space<semaphore_mem>> -> memref<1x!tpu.dma_semaphore, #tpu.memory_space<semaphore_mem>>
    %dma_start3A_16 = tpu.memref_squeeze %dma_start3A_15 : memref<1x!tpu.dma_semaphore, #tpu.memory_space<semaphore_mem>> -> memref<!tpu.dma_semaphore, #tpu.memory_space<semaphore_mem>>
    tpu.enqueue_indirect_dma source(%dma_start3A_14 : memref<10008x128xf32, #tpu.memory_space<hbm>>) target(%dma_start3A_8 : memref<128x128xf32, #tpu.memory_space<vmem>>) offsets(%dma_start3A_11 : memref<128xi32, #tpu.memory_space<vmem>>) semaphore(%dma_start3A_16 : memref<!tpu.dma_semaphore, #tpu.memory_space<semaphore_mem>>)
    %dma_start3A_17 = arith.constant 1 : i32
    %dma_start3A_18 = arith.constant 1 : i32
    %dma_start3A_19 = arith.constant 1 : i32
    %dma_start3A_20 = arith.constant 0 : i32
    %dma_start3A_21 = arith.constant 0 : i32
    %dma_start3A_22 = tpu.memref_slice %arg9[%dma_start3A_18, %dma_start3A_20, %dma_start3A_21] : memref<2x128x128xf32, #tpu.memory_space<vmem>> -> memref<1x128x128xf32, #tpu.memory_space<vmem>>
    %dma_start3A_23 = tpu.memref_squeeze %dma_start3A_22 : memref<1x128x128xf32, #tpu.memory_space<vmem>> -> memref<128x128xf32, #tpu.memory_space<vmem>>
    %dma_start3A_24 = arith.constant 0 : i32
    %dma_start3A_25 = tpu.memref_slice %arg7[%dma_start3A_17, %dma_start3A_24] : memref<40x128xi32, #tpu.memory_space<vmem>> -> memref<1x128xi32, #tpu.memory_space<vmem>>
    %dma_start3A_26 = tpu.memref_squeeze %dma_start3A_25 : memref<1x128xi32, #tpu.memory_space<vmem>> -> memref<128xi32, #tpu.memory_space<vmem>>
    %dma_start3A_27 = arith.constant 0 : i32
    %dma_start3A_28 = arith.constant 0 : i32
    %dma_start3A_29 = tpu.memref_slice %arg2[%dma_start3A_27, %dma_start3A_28] : memref<10008x128xf32, #tpu.memory_space<hbm>> -> memref<10008x128xf32, #tpu.memory_space<hbm>>
    %dma_start3A_30 = tpu.memref_slice %arg11[%dma_start3A_19] : memref<2x!tpu.dma_semaphore, #tpu.memory_space<semaphore_mem>> -> memref<1x!tpu.dma_semaphore, #tpu.memory_space<semaphore_mem>>
    %dma_start3A_31 = tpu.memref_squeeze %dma_start3A_30 : memref<1x!tpu.dma_semaphore, #tpu.memory_space<semaphore_mem>> -> memref<!tpu.dma_semaphore, #tpu.memory_space<semaphore_mem>>
    tpu.enqueue_indirect_dma source(%dma_start3A_29 : memref<10008x128xf32, #tpu.memory_space<hbm>>) target(%dma_start3A_23 : memref<128x128xf32, #tpu.memory_space<vmem>>) offsets(%dma_start3A_26 : memref<128xi32, #tpu.memory_space<vmem>>) semaphore(%dma_start3A_31 : memref<!tpu.dma_semaphore, #tpu.memory_space<semaphore_mem>>)
    %scan3A = arith.constant 0 : i32
    %scan3A_32 = arith.constant 0 : i32
    %scan3A_33 = arith.constant 20 : i32
    %scan3A_34 = arith.addi %scan3A_32, %scan3A_33 : i32
    %scan3A_35 = arith.constant 1 : i32
    scf.for %scan3A_71 = %scan3A_32 to %scan3A_34 step %scan3A_35  : i32 {
      %mul3A_72 = arith.constant 2 : i32
      %mul3A_73 = arith.muli %mul3A_72, %scan3A_71 : i32
      %add3A = arith.constant 0 : i32
      %add3A_74 = arith.addi %mul3A_73, %add3A : i32
      %dma_wait3A_75 = arith.constant 0 : i32
      %dma_wait3A_76 = arith.constant 0 : i32
      %dma_wait3A_77 = arith.constant 0 : i32
      %dma_wait3A_78 = arith.constant 0 : i32
      %dma_wait3A_79 = tpu.memref_slice %arg9[%dma_wait3A_75, %dma_wait3A_77, %dma_wait3A_78] : memref<2x128x128xf32, #tpu.memory_space<vmem>> -> memref<1x128x128xf32, #tpu.memory_space<vmem>>
      %dma_wait3A_80 = tpu.memref_squeeze %dma_wait3A_79 : memref<1x128x128xf32, #tpu.memory_space<vmem>> -> memref<128x128xf32, #tpu.memory_space<vmem>>
      %dma_wait3A_81 = arith.constant 0 : i32
      %dma_wait3A_82 = tpu.memref_slice %arg7[%add3A_74, %dma_wait3A_81] : memref<40x128xi32, #tpu.memory_space<vmem>> -> memref<1x128xi32, #tpu.memory_space<vmem>>
      %dma_wait3A_83 = tpu.memref_squeeze %dma_wait3A_82 : memref<1x128xi32, #tpu.memory_space<vmem>> -> memref<128xi32, #tpu.memory_space<vmem>>
      %dma_wait3A_84 = arith.constant 0 : i32
      %dma_wait3A_85 = arith.constant 0 : i32
      %dma_wait3A_86 = tpu.memref_slice %arg2[%dma_wait3A_84, %dma_wait3A_85] : memref<10008x128xf32, #tpu.memory_space<hbm>> -> memref<10008x128xf32, #tpu.memory_space<hbm>>
      %dma_wait3A_87 = tpu.memref_slice %arg11[%dma_wait3A_76] : memref<2x!tpu.dma_semaphore, #tpu.memory_space<semaphore_mem>> -> memref<1x!tpu.dma_semaphore, #tpu.memory_space<semaphore_mem>>
      %dma_wait3A_88 = tpu.memref_squeeze %dma_wait3A_87 : memref<1x!tpu.dma_semaphore, #tpu.memory_space<semaphore_mem>> -> memref<!tpu.dma_semaphore, #tpu.memory_space<semaphore_mem>>
      tpu.wait_indirect_dma semaphore(%dma_wait3A_88 : memref<!tpu.dma_semaphore, #tpu.memory_space<semaphore_mem>>) src(%dma_wait3A_86 : memref<10008x128xf32, #tpu.memory_space<hbm>>) dst(%dma_wait3A_80 : memref<128x128xf32, #tpu.memory_space<vmem>>)
      %run_scoped3A = arith.constant 0 : i32
      "tpu.region"() ({
        %run_scoped3A_143 = tpu.sem_alloc : memref<!tpu.dma_semaphore, #tpu.memory_space<semaphore_mem>>
        %dma_start3A_144 = arith.constant 0 : i32
        %dma_start3A_145 = arith.constant 0 : i32
        %dma_start3A_146 = tpu.memref_slice %arg9[%run_scoped3A, %dma_start3A_144, %dma_start3A_145] : memref<2x128x128xf32, #tpu.memory_space<vmem>> -> memref<1x128x128xf32, #tpu.memory_space<vmem>>
        %dma_start3A_147 = tpu.memref_squeeze %dma_start3A_146 : memref<1x128x128xf32, #tpu.memory_space<vmem>> -> memref<128x128xf32, #tpu.memory_space<vmem>>
        %dma_start3A_148 = arith.constant 0 : i32
        %dma_start3A_149 = tpu.memref_slice %arg8[%add3A_74, %dma_start3A_148] : memref<40x128xi32, #tpu.memory_space<vmem>> -> memref<1x128xi32, #tpu.memory_space<vmem>>
        %dma_start3A_150 = tpu.memref_squeeze %dma_start3A_149 : memref<1x128xi32, #tpu.memory_space<vmem>> -> memref<128xi32, #tpu.memory_space<vmem>>
        %dma_start3A_151 = arith.constant 0 : i32
        %dma_start3A_152 = arith.constant 0 : i32
        %dma_start3A_153 = tpu.memref_slice %arg10[%dma_start3A_151, %dma_start3A_152] : memref<10112x128xf32, #tpu.memory_space<vmem_shared>> -> memref<10112x128xf32, #tpu.memory_space<vmem_shared>>
        tpu.enqueue_indirect_dma source(%dma_start3A_147 : memref<128x128xf32, #tpu.memory_space<vmem>>) target(%dma_start3A_153 : memref<10112x128xf32, #tpu.memory_space<vmem_shared>>) offsets(%dma_start3A_150 : memref<128xi32, #tpu.memory_space<vmem>>) semaphore(%run_scoped3A_143 : memref<!tpu.dma_semaphore, #tpu.memory_space<semaphore_mem>>) {add = true}
        %dma_wait3A_154 = arith.constant 0 : i32
        %dma_wait3A_155 = arith.constant 0 : i32
        %dma_wait3A_156 = tpu.memref_slice %arg9[%run_scoped3A, %dma_wait3A_154, %dma_wait3A_155] : memref<2x128x128xf32, #tpu.memory_space<vmem>> -> memref<1x128x128xf32, #tpu.memory_space<vmem>>
        %dma_wait3A_157 = tpu.memref_squeeze %dma_wait3A_156 : memref<1x128x128xf32, #tpu.memory_space<vmem>> -> memref<128x128xf32, #tpu.memory_space<vmem>>
        %dma_wait3A_158 = arith.constant 0 : i32
        %dma_wait3A_159 = tpu.memref_slice %arg8[%add3A_74, %dma_wait3A_158] : memref<40x128xi32, #tpu.memory_space<vmem>> -> memref<1x128xi32, #tpu.memory_space<vmem>>
        %dma_wait3A_160 = tpu.memref_squeeze %dma_wait3A_159 : memref<1x128xi32, #tpu.memory_space<vmem>> -> memref<128xi32, #tpu.memory_space<vmem>>
        %dma_wait3A_161 = arith.constant 0 : i32
        %dma_wait3A_162 = arith.constant 0 : i32
        %dma_wait3A_163 = tpu.memref_slice %arg10[%dma_wait3A_161, %dma_wait3A_162] : memref<10112x128xf32, #tpu.memory_space<vmem_shared>> -> memref<10112x128xf32, #tpu.memory_space<vmem_shared>>
        tpu.wait_indirect_dma semaphore(%run_scoped3A_143 : memref<!tpu.dma_semaphore, #tpu.memory_space<semaphore_mem>>) src(%dma_wait3A_157 : memref<128x128xf32, #tpu.memory_space<vmem>>) dst(%dma_wait3A_163 : memref<10112x128xf32, #tpu.memory_space<vmem_shared>>)
        tpu.yield
      }) : () -> ()
      %add3A_89 = arith.constant 2 : i32
      %add3A_90 = arith.addi %add3A_74, %add3A_89 : i32
      %min3A = arith.constant 39 : i32
      %min3A_91 = arith.minsi %add3A_90, %min3A : i32
      %dma_start3A_92 = arith.constant 0 : i32
      %dma_start3A_93 = arith.constant 0 : i32
      %dma_start3A_94 = arith.constant 0 : i32
      %dma_start3A_95 = arith.constant 0 : i32
      %dma_start3A_96 = tpu.memref_slice %arg9[%dma_start3A_92, %dma_start3A_94, %dma_start3A_95] : memref<2x128x128xf32, #tpu.memory_space<vmem>> -> memref<1x128x128xf32, #tpu.memory_space<vmem>>
      %dma_start3A_97 = tpu.memref_squeeze %dma_start3A_96 : memref<1x128x128xf32, #tpu.memory_space<vmem>> -> memref<128x128xf32, #tpu.memory_space<vmem>>
      %dma_start3A_98 = arith.constant 0 : i32
      %dma_start3A_99 = tpu.memref_slice %arg7[%min3A_91, %dma_start3A_98] : memref<40x128xi32, #tpu.memory_space<vmem>> -> memref<1x128xi32, #tpu.memory_space<vmem>>
      %dma_start3A_100 = tpu.memref_squeeze %dma_start3A_99 : memref<1x128xi32, #tpu.memory_space<vmem>> -> memref<128xi32, #tpu.memory_space<vmem>>
      %dma_start3A_101 = arith.constant 0 : i32
      %dma_start3A_102 = arith.constant 0 : i32
      %dma_start3A_103 = tpu.memref_slice %arg2[%dma_start3A_101, %dma_start3A_102] : memref<10008x128xf32, #tpu.memory_space<hbm>> -> memref<10008x128xf32, #tpu.memory_space<hbm>>
      %dma_start3A_104 = tpu.memref_slice %arg11[%dma_start3A_93] : memref<2x!tpu.dma_semaphore, #tpu.memory_space<semaphore_mem>> -> memref<1x!tpu.dma_semaphore, #tpu.memory_space<semaphore_mem>>
      %dma_start3A_105 = tpu.memref_squeeze %dma_start3A_104 : memref<1x!tpu.dma_semaphore, #tpu.memory_space<semaphore_mem>> -> memref<!tpu.dma_semaphore, #tpu.memory_space<semaphore_mem>>
      tpu.enqueue_indirect_dma source(%dma_start3A_103 : memref<10008x128xf32, #tpu.memory_space<hbm>>) target(%dma_start3A_97 : memref<128x128xf32, #tpu.memory_space<vmem>>) offsets(%dma_start3A_100 : memref<128xi32, #tpu.memory_space<vmem>>) semaphore(%dma_start3A_105 : memref<!tpu.dma_semaphore, #tpu.memory_space<semaphore_mem>>)
      %mul3A_106 = arith.constant 2 : i32
      %mul3A_107 = arith.muli %mul3A_106, %scan3A_71 : i32
      %add3A_108 = arith.constant 1 : i32
      %add3A_109 = arith.addi %mul3A_107, %add3A_108 : i32
      %dma_wait3A_110 = arith.constant 1 : i32
      %dma_wait3A_111 = arith.constant 1 : i32
      %dma_wait3A_112 = arith.constant 0 : i32
      %dma_wait3A_113 = arith.constant 0 : i32
      %dma_wait3A_114 = tpu.memref_slice %arg9[%dma_wait3A_110, %dma_wait3A_112, %dma_wait3A_113] : memref<2x128x128xf32, #tpu.memory_space<vmem>> -> memref<1x128x128xf32, #tpu.memory_space<vmem>>
      %dma_wait3A_115 = tpu.memref_squeeze %dma_wait3A_114 : memref<1x128x128xf32, #tpu.memory_space<vmem>> -> memref<128x128xf32, #tpu.memory_space<vmem>>
      %dma_wait3A_116 = arith.constant 0 : i32
      %dma_wait3A_117 = tpu.memref_slice %arg7[%add3A_109, %dma_wait3A_116] : memref<40x128xi32, #tpu.memory_space<vmem>> -> memref<1x128xi32, #tpu.memory_space<vmem>>
      %dma_wait3A_118 = tpu.memref_squeeze %dma_wait3A_117 : memref<1x128xi32, #tpu.memory_space<vmem>> -> memref<128xi32, #tpu.memory_space<vmem>>
      %dma_wait3A_119 = arith.constant 0 : i32
      %dma_wait3A_120 = arith.constant 0 : i32
      %dma_wait3A_121 = tpu.memref_slice %arg2[%dma_wait3A_119, %dma_wait3A_120] : memref<10008x128xf32, #tpu.memory_space<hbm>> -> memref<10008x128xf32, #tpu.memory_space<hbm>>
      %dma_wait3A_122 = tpu.memref_slice %arg11[%dma_wait3A_111] : memref<2x!tpu.dma_semaphore, #tpu.memory_space<semaphore_mem>> -> memref<1x!tpu.dma_semaphore, #tpu.memory_space<semaphore_mem>>
      %dma_wait3A_123 = tpu.memref_squeeze %dma_wait3A_122 : memref<1x!tpu.dma_semaphore, #tpu.memory_space<semaphore_mem>> -> memref<!tpu.dma_semaphore, #tpu.memory_space<semaphore_mem>>
      tpu.wait_indirect_dma semaphore(%dma_wait3A_123 : memref<!tpu.dma_semaphore, #tpu.memory_space<semaphore_mem>>) src(%dma_wait3A_121 : memref<10008x128xf32, #tpu.memory_space<hbm>>) dst(%dma_wait3A_115 : memref<128x128xf32, #tpu.memory_space<vmem>>)
      %run_scoped3A_124 = arith.constant 1 : i32
      "tpu.region"() ({
        %run_scoped3A_143 = tpu.sem_alloc : memref<!tpu.dma_semaphore, #tpu.memory_space<semaphore_mem>>
        %dma_start3A_144 = arith.constant 0 : i32
        %dma_start3A_145 = arith.constant 0 : i32
        %dma_start3A_146 = tpu.memref_slice %arg9[%run_scoped3A_124, %dma_start3A_144, %dma_start3A_145] : memref<2x128x128xf32, #tpu.memory_space<vmem>> -> memref<1x128x128xf32, #tpu.memory_space<vmem>>
        %dma_start3A_147 = tpu.memref_squeeze %dma_start3A_146 : memref<1x128x128xf32, #tpu.memory_space<vmem>> -> memref<128x128xf32, #tpu.memory_space<vmem>>
        %dma_start3A_148 = arith.constant 0 : i32
        %dma_start3A_149 = tpu.memref_slice %arg8[%add3A_109, %dma_start3A_148] : memref<40x128xi32, #tpu.memory_space<vmem>> -> memref<1x128xi32, #tpu.memory_space<vmem>>
        %dma_start3A_150 = tpu.memref_squeeze %dma_start3A_149 : memref<1x128xi32, #tpu.memory_space<vmem>> -> memref<128xi32, #tpu.memory_space<vmem>>
        %dma_start3A_151 = arith.constant 0 : i32
        %dma_start3A_152 = arith.constant 0 : i32
        %dma_start3A_153 = tpu.memref_slice %arg10[%dma_start3A_151, %dma_start3A_152] : memref<10112x128xf32, #tpu.memory_space<vmem_shared>> -> memref<10112x128xf32, #tpu.memory_space<vmem_shared>>
        tpu.enqueue_indirect_dma source(%dma_start3A_147 : memref<128x128xf32, #tpu.memory_space<vmem>>) target(%dma_start3A_153 : memref<10112x128xf32, #tpu.memory_space<vmem_shared>>) offsets(%dma_start3A_150 : memref<128xi32, #tpu.memory_space<vmem>>) semaphore(%run_scoped3A_143 : memref<!tpu.dma_semaphore, #tpu.memory_space<semaphore_mem>>) {add = true}
        %dma_wait3A_154 = arith.constant 0 : i32
        %dma_wait3A_155 = arith.constant 0 : i32
        %dma_wait3A_156 = tpu.memref_slice %arg9[%run_scoped3A_124, %dma_wait3A_154, %dma_wait3A_155] : memref<2x128x128xf32, #tpu.memory_space<vmem>> -> memref<1x128x128xf32, #tpu.memory_space<vmem>>
        %dma_wait3A_157 = tpu.memref_squeeze %dma_wait3A_156 : memref<1x128x128xf32, #tpu.memory_space<vmem>> -> memref<128x128xf32, #tpu.memory_space<vmem>>
        %dma_wait3A_158 = arith.constant 0 : i32
        %dma_wait3A_159 = tpu.memref_slice %arg8[%add3A_109, %dma_wait3A_158] : memref<40x128xi32, #tpu.memory_space<vmem>> -> memref<1x128xi32, #tpu.memory_space<vmem>>
        %dma_wait3A_160 = tpu.memref_squeeze %dma_wait3A_159 : memref<1x128xi32, #tpu.memory_space<vmem>> -> memref<128xi32, #tpu.memory_space<vmem>>
        %dma_wait3A_161 = arith.constant 0 : i32
        %dma_wait3A_162 = arith.constant 0 : i32
        %dma_wait3A_163 = tpu.memref_slice %arg10[%dma_wait3A_161, %dma_wait3A_162] : memref<10112x128xf32, #tpu.memory_space<vmem_shared>> -> memref<10112x128xf32, #tpu.memory_space<vmem_shared>>
        tpu.wait_indirect_dma semaphore(%run_scoped3A_143 : memref<!tpu.dma_semaphore, #tpu.memory_space<semaphore_mem>>) src(%dma_wait3A_157 : memref<128x128xf32, #tpu.memory_space<vmem>>) dst(%dma_wait3A_163 : memref<10112x128xf32, #tpu.memory_space<vmem_shared>>)
        tpu.yield
      }) : () -> ()
      %add3A_125 = arith.constant 2 : i32
      %add3A_126 = arith.addi %add3A_109, %add3A_125 : i32
      %min3A_127 = arith.constant 39 : i32
      %min3A_128 = arith.minsi %add3A_126, %min3A_127 : i32
      %dma_start3A_129 = arith.constant 1 : i32
      %dma_start3A_130 = arith.constant 1 : i32
      %dma_start3A_131 = arith.constant 0 : i32
      %dma_start3A_132 = arith.constant 0 : i32
      %dma_start3A_133 = tpu.memref_slice %arg9[%dma_start3A_129, %dma_start3A_131, %dma_start3A_132] : memref<2x128x128xf32, #tpu.memory_space<vmem>> -> memref<1x128x128xf32, #tpu.memory_space<vmem>>
      %dma_start3A_134 = tpu.memref_squeeze %dma_start3A_133 : memref<1x128x128xf32, #tpu.memory_space<vmem>> -> memref<128x128xf32, #tpu.memory_space<vmem>>
      %dma_start3A_135 = arith.constant 0 : i32
      %dma_start3A_136 = tpu.memref_slice %arg7[%min3A_128, %dma_start3A_135] : memref<40x128xi32, #tpu.memory_space<vmem>> -> memref<1x128xi32, #tpu.memory_space<vmem>>
      %dma_start3A_137 = tpu.memref_squeeze %dma_start3A_136 : memref<1x128xi32, #tpu.memory_space<vmem>> -> memref<128xi32, #tpu.memory_space<vmem>>
      %dma_start3A_138 = arith.constant 0 : i32
      %dma_start3A_139 = arith.constant 0 : i32
      %dma_start3A_140 = tpu.memref_slice %arg2[%dma_start3A_138, %dma_start3A_139] : memref<10008x128xf32, #tpu.memory_space<hbm>> -> memref<10008x128xf32, #tpu.memory_space<hbm>>
      %dma_start3A_141 = tpu.memref_slice %arg11[%dma_start3A_130] : memref<2x!tpu.dma_semaphore, #tpu.memory_space<semaphore_mem>> -> memref<1x!tpu.dma_semaphore, #tpu.memory_space<semaphore_mem>>
      %dma_start3A_142 = tpu.memref_squeeze %dma_start3A_141 : memref<1x!tpu.dma_semaphore, #tpu.memory_space<semaphore_mem>> -> memref<!tpu.dma_semaphore, #tpu.memory_space<semaphore_mem>>
      tpu.enqueue_indirect_dma source(%dma_start3A_140 : memref<10008x128xf32, #tpu.memory_space<hbm>>) target(%dma_start3A_134 : memref<128x128xf32, #tpu.memory_space<vmem>>) offsets(%dma_start3A_137 : memref<128xi32, #tpu.memory_space<vmem>>) semaphore(%dma_start3A_142 : memref<!tpu.dma_semaphore, #tpu.memory_space<semaphore_mem>>)
    }
    %scan3A_36 = arith.constant 20 : i32
    %dma_wait3A = arith.constant 0 : i32
    %dma_wait3A_37 = arith.constant 0 : i32
    %dma_wait3A_38 = arith.constant 0 : i32
    %dma_wait3A_39 = arith.constant 0 : i32
    %dma_wait3A_40 = arith.constant 0 : i32
    %dma_wait3A_41 = tpu.memref_slice %arg9[%dma_wait3A_37, %dma_wait3A_39, %dma_wait3A_40] : memref<2x128x128xf32, #tpu.memory_space<vmem>> -> memref<1x128x128xf32, #tpu.memory_space<vmem>>
    %dma_wait3A_42 = tpu.memref_squeeze %dma_wait3A_41 : memref<1x128x128xf32, #tpu.memory_space<vmem>> -> memref<128x128xf32, #tpu.memory_space<vmem>>
    %dma_wait3A_43 = arith.constant 0 : i32
    %dma_wait3A_44 = tpu.memref_slice %arg7[%dma_wait3A, %dma_wait3A_43] : memref<40x128xi32, #tpu.memory_space<vmem>> -> memref<1x128xi32, #tpu.memory_space<vmem>>
    %dma_wait3A_45 = tpu.memref_squeeze %dma_wait3A_44 : memref<1x128xi32, #tpu.memory_space<vmem>> -> memref<128xi32, #tpu.memory_space<vmem>>
    %dma_wait3A_46 = arith.constant 0 : i32
    %dma_wait3A_47 = arith.constant 0 : i32
    %dma_wait3A_48 = tpu.memref_slice %arg2[%dma_wait3A_46, %dma_wait3A_47] : memref<10008x128xf32, #tpu.memory_space<hbm>> -> memref<10008x128xf32, #tpu.memory_space<hbm>>
    %dma_wait3A_49 = tpu.memref_slice %arg11[%dma_wait3A_38] : memref<2x!tpu.dma_semaphore, #tpu.memory_space<semaphore_mem>> -> memref<1x!tpu.dma_semaphore, #tpu.memory_space<semaphore_mem>>
    %dma_wait3A_50 = tpu.memref_squeeze %dma_wait3A_49 : memref<1x!tpu.dma_semaphore, #tpu.memory_space<semaphore_mem>> -> memref<!tpu.dma_semaphore, #tpu.memory_space<semaphore_mem>>
    tpu.wait_indirect_dma semaphore(%dma_wait3A_50 : memref<!tpu.dma_semaphore, #tpu.memory_space<semaphore_mem>>) src(%dma_wait3A_48 : memref<10008x128xf32, #tpu.memory_space<hbm>>) dst(%dma_wait3A_42 : memref<128x128xf32, #tpu.memory_space<vmem>>)
    %dma_wait3A_51 = arith.constant 0 : i32
    %dma_wait3A_52 = arith.constant 1 : i32
    %dma_wait3A_53 = arith.constant 1 : i32
    %dma_wait3A_54 = arith.constant 0 : i32
    %dma_wait3A_55 = arith.constant 0 : i32
    %dma_wait3A_56 = tpu.memref_slice %arg9[%dma_wait3A_52, %dma_wait3A_54, %dma_wait3A_55] : memref<2x128x128xf32, #tpu.memory_space<vmem>> -> memref<1x128x128xf32, #tpu.memory_space<vmem>>
    %dma_wait3A_57 = tpu.memref_squeeze %dma_wait3A_56 : memref<1x128x128xf32, #tpu.memory_space<vmem>> -> memref<128x128xf32, #tpu.memory_space<vmem>>
    %dma_wait3A_58 = arith.constant 0 : i32
    %dma_wait3A_59 = tpu.memref_slice %arg7[%dma_wait3A_51, %dma_wait3A_58] : memref<40x128xi32, #tpu.memory_space<vmem>> -> memref<1x128xi32, #tpu.memory_space<vmem>>
    %dma_wait3A_60 = tpu.memref_squeeze %dma_wait3A_59 : memref<1x128xi32, #tpu.memory_space<vmem>> -> memref<128xi32, #tpu.memory_space<vmem>>
    %dma_wait3A_61 = arith.constant 0 : i32
    %dma_wait3A_62 = arith.constant 0 : i32
    %dma_wait3A_63 = tpu.memref_slice %arg2[%dma_wait3A_61, %dma_wait3A_62] : memref<10008x128xf32, #tpu.memory_space<hbm>> -> memref<10008x128xf32, #tpu.memory_space<hbm>>
    %dma_wait3A_64 = tpu.memref_slice %arg11[%dma_wait3A_53] : memref<2x!tpu.dma_semaphore, #tpu.memory_space<semaphore_mem>> -> memref<1x!tpu.dma_semaphore, #tpu.memory_space<semaphore_mem>>
    %dma_wait3A_65 = tpu.memref_squeeze %dma_wait3A_64 : memref<1x!tpu.dma_semaphore, #tpu.memory_space<semaphore_mem>> -> memref<!tpu.dma_semaphore, #tpu.memory_space<semaphore_mem>>
    tpu.wait_indirect_dma semaphore(%dma_wait3A_65 : memref<!tpu.dma_semaphore, #tpu.memory_space<semaphore_mem>>) src(%dma_wait3A_63 : memref<10008x128xf32, #tpu.memory_space<hbm>>) dst(%dma_wait3A_57 : memref<128x128xf32, #tpu.memory_space<vmem>>)
    %barrier3A_66 = arith.constant 0 : index
    tpu.barrier barrier_id(%barrier3A_66)
    %mul3A_67 = arith.constant 632 : i32
    %mul3A_68 = arith.muli %arg1, %mul3A_67 : i32
    %mul3A_69 = arith.constant 632 : i32
    %mul3A_70 = arith.muli %arg1, %mul3A_69 : i32
    "tpu.region"() ({
      %run_scoped3A = tpu.sem_alloc : memref<!tpu.dma_semaphore, #tpu.memory_space<semaphore_mem>>
      %dma_start3A_71 = arith.constant 0 : i32
      %dma_start3A_72 = tpu.memref_slice %arg6[%arg0, %mul3A_70, %dma_start3A_71] : memref<2x10112x128xf32, #tpu.memory_space<hbm>> -> memref<1x632x128xf32, #tpu.memory_space<hbm>>
      %dma_start3A_73 = tpu.memref_squeeze %dma_start3A_72 : memref<1x632x128xf32, #tpu.memory_space<hbm>> -> memref<632x128xf32, #tpu.memory_space<hbm>>
      %dma_start3A_74 = arith.constant 0 : i32
      %dma_start3A_75 = tpu.memref_slice %arg10[%mul3A_68, %dma_start3A_74] : memref<10112x128xf32, #tpu.memory_space<vmem_shared>> -> memref<632x128xf32, #tpu.memory_space<vmem_shared>>
      tpu.enqueue_dma source(%dma_start3A_75 : memref<632x128xf32, #tpu.memory_space<vmem_shared>>) target(%dma_start3A_73 : memref<632x128xf32, #tpu.memory_space<hbm>>) target_semaphore(%run_scoped3A : memref<!tpu.dma_semaphore, #tpu.memory_space<semaphore_mem>>)
      %dma_wait3A_76 = arith.constant 0 : i32
      %dma_wait3A_77 = tpu.memref_slice %arg6[%arg0, %mul3A_70, %dma_wait3A_76] : memref<2x10112x128xf32, #tpu.memory_space<hbm>> -> memref<1x632x128xf32, #tpu.memory_space<hbm>>
      %dma_wait3A_78 = tpu.memref_squeeze %dma_wait3A_77 : memref<1x632x128xf32, #tpu.memory_space<hbm>> -> memref<632x128xf32, #tpu.memory_space<hbm>>
      %dma_wait3A_79 = arith.constant 0 : i32
      %dma_wait3A_80 = tpu.memref_slice %arg10[%mul3A_68, %dma_wait3A_79] : memref<10112x128xf32, #tpu.memory_space<vmem_shared>> -> memref<632x128xf32, #tpu.memory_space<vmem_shared>>
      tpu.wait_dma2 semaphore(%run_scoped3A : memref<!tpu.dma_semaphore, #tpu.memory_space<semaphore_mem>>) src(%dma_wait3A_80 : memref<632x128xf32, #tpu.memory_space<vmem_shared>>) dst(%dma_wait3A_78 : memref<632x128xf32, #tpu.memory_space<hbm>>)
      tpu.yield
    }) : () -> ()
    return
  }
}

module attributes {stable_mosaic.version = 14 : i64} {
  func.func @sA_body(%arg0: i32, %arg1: memref<3x1xf32, #tpu.memory_space<smem>>, %arg2: memref<1000x128xf32, #tpu.memory_space<vmem>>, %arg3: memref<1x1000x128xf32, #tpu.memory_space<vmem>>, %arg4: memref<1x1000x128xf32, #tpu.memory_space<vmem>>, %arg5: memref<2x1000x64xf32, #tpu.memory_space<vmem>>, %arg6: memref<128x32xf32, #tpu.memory_space<vmem>>, %arg7: memref<64x32xf32, #tpu.memory_space<vmem>>, %arg8: memref<128x16xf32, #tpu.memory_space<vmem>>, %arg9: memref<128x16xf32, #tpu.memory_space<vmem>>, %arg10: memref<1x32xf32, #tpu.memory_space<vmem>>, %arg11: memref<1x32xf32, #tpu.memory_space<vmem>>, %arg12: memref<1000x128xf32, #tpu.memory_space<vmem>>, %arg13: memref<1000x32xf32, #tpu.memory_space<vmem>>) attributes {dimension_semantics = [#tpu.dimension_semantics<arbitrary>], iteration_bounds = array<i64: 10>, scalar_prefetch = 0 : i64, scratch_operands = 0 : i64, tpu.core_type = #tpu.core_type<tc>, window_params = [{transform_indices = @transform_0, window_bounds = array<i64: 3, 1>}, {transform_indices = @transform_1, window_bounds = array<i64: 1000, 128>}, {transform_indices = @transform_2, window_bounds = array<i64: 1, 1000, 128>}, {transform_indices = @transform_3, window_bounds = array<i64: 1, 1000, 128>}, {transform_indices = @transform_4, window_bounds = array<i64: 2, 1000, 64>}, {pipeline_mode = #tpu.pipeline_mode<synchronous>, transform_indices = @transform_5, window_bounds = array<i64: 128, 32>}, {pipeline_mode = #tpu.pipeline_mode<synchronous>, transform_indices = @transform_6, window_bounds = array<i64: 64, 32>}, {pipeline_mode = #tpu.pipeline_mode<synchronous>, transform_indices = @transform_7, window_bounds = array<i64: 128, 16>}, {pipeline_mode = #tpu.pipeline_mode<synchronous>, transform_indices = @transform_8, window_bounds = array<i64: 128, 16>}, {pipeline_mode = #tpu.pipeline_mode<synchronous>, transform_indices = @transform_9, window_bounds = array<i64: 1, 32>}, {pipeline_mode = #tpu.pipeline_mode<synchronous>, transform_indices = @transform_10, window_bounds = array<i64: 1, 32>}, {transform_indices = @transform_11, window_bounds = array<i64: 1000, 128>}, {transform_indices = @transform_12, window_bounds = array<i64: 1000, 32>}]} {
    %get3A = arith.constant 0 : index
    %get3A_0 = arith.constant 0 : index
    %get3A_1 = memref.load %arg1[%get3A, %get3A_0] : memref<3x1xf32, #tpu.memory_space<smem>>
    %add3A = arith.constant 1.000000e+00 : f32
    %add3A_2 = arith.addf %add3A, %get3A_1 : f32
    %get3A_3 = arith.constant 1 : index
    %get3A_4 = arith.constant 0 : index
    %get3A_5 = memref.load %arg1[%get3A_3, %get3A_4] : memref<3x1xf32, #tpu.memory_space<smem>>
    %add3A_6 = arith.constant 1.000000e+00 : f32
    %add3A_7 = arith.addf %add3A_6, %get3A_5 : f32
    %get3A_8 = arith.constant 2 : index
    %get3A_9 = arith.constant 0 : index
    %get3A_10 = memref.load %arg1[%get3A_8, %get3A_9] : memref<3x1xf32, #tpu.memory_space<smem>>
    %add3A_11 = arith.constant 1.000000e+00 : f32
    %add3A_12 = arith.addf %add3A_11, %get3A_10 : f32
    %get3A_13 = arith.constant 0 : index
    %get3A_14 = arith.constant 0 : index
    %get3A_15 = vector.load %arg2[%get3A_13, %get3A_14] : memref<1000x128xf32, #tpu.memory_space<vmem>>, vector<1000x128xf32>
    %get3A_16 = arith.constant 0 : index
    %get3A_17 = arith.constant 0 : index
    %get3A_18 = arith.constant 0 : index
    %get3A_19 = vector.load %arg3[%get3A_16, %get3A_17, %get3A_18] : memref<1x1000x128xf32, #tpu.memory_space<vmem>>, vector<1x1000x128xf32>
    %get3A_20 = vector.shape_cast %get3A_19 : vector<1x1000x128xf32> to vector<1000x128xf32>
    %mul3A = vector.broadcast %add3A_2 : f32 to vector<1000x128xf32>
    %mul3A_21 = arith.mulf %mul3A, %get3A_15 : vector<1000x128xf32>
    %add3A_22 = arith.addf %mul3A_21, %get3A_20 : vector<1000x128xf32>
    %get3A_23 = arith.constant 0 : index
    %get3A_24 = arith.constant 0 : index
    %get3A_25 = vector.load %arg6[%get3A_23, %get3A_24] : memref<128x32xf32, #tpu.memory_space<vmem>>, vector<128x32xf32>
    %dot_general3A = arith.constant dense<0.000000e+00> : vector<1000x32xf32>
    %dot_general3A_26 = tpu.matmul %add3A_22, %get3A_25, %dot_general3A {dimension_numbers = #tpu.dot_dimension_numbers<[1], [0], [0], [1], [0, 0, 1, 1], [], []>, transpose_lhs_hint = false} : vector<1000x128xf32>, vector<128x32xf32>, vector<1000x32xf32> -> vector<1000x32xf32>
    %get3A_27 = arith.constant 0 : index
    %get3A_28 = arith.constant 0 : index
    %get3A_29 = arith.constant 0 : index
    %get3A_30 = vector.load %arg5[%get3A_27, %get3A_28, %get3A_29] : memref<2x1000x64xf32, #tpu.memory_space<vmem>>, vector<1x1000x64xf32>
    %get3A_31 = vector.shape_cast %get3A_30 : vector<1x1000x64xf32> to vector<1000x64xf32>
    %mul3A_32 = vector.broadcast %add3A_2 : f32 to vector<1000x64xf32>
    %mul3A_33 = arith.mulf %mul3A_32, %get3A_31 : vector<1000x64xf32>
    %get3A_34 = arith.constant 0 : index
    %get3A_35 = arith.constant 0 : index
    %get3A_36 = arith.constant 0 : index
    %get3A_37 = vector.load %arg4[%get3A_34, %get3A_35, %get3A_36] : memref<1x1000x128xf32, #tpu.memory_space<vmem>>, vector<1x1000x128xf32>
    %get3A_38 = vector.shape_cast %get3A_37 : vector<1x1000x128xf32> to vector<1000x128xf32>
    %slice3A = vector.extract_strided_slice %get3A_38 {offsets = [0, 0], sizes = [1000, 64], strides = [1, 1]} : vector<1000x128xf32> to vector<1000x64xf32>
    %add3A_39 = arith.addf %mul3A_33, %slice3A : vector<1000x64xf32>
    %get3A_40 = arith.constant 0 : index
    %get3A_41 = arith.constant 0 : index
    %get3A_42 = vector.load %arg7[%get3A_40, %get3A_41] : memref<64x32xf32, #tpu.memory_space<vmem>>, vector<64x32xf32>
    %dot_general3A_43 = arith.constant dense<0.000000e+00> : vector<1000x32xf32>
    %dot_general3A_44 = tpu.matmul %add3A_39, %get3A_42, %dot_general3A_43 {dimension_numbers = #tpu.dot_dimension_numbers<[1], [0], [0], [1], [0, 0, 1, 1], [], []>, transpose_lhs_hint = false} : vector<1000x64xf32>, vector<64x32xf32>, vector<1000x32xf32> -> vector<1000x32xf32>
    %add3A_45 = arith.addf %dot_general3A_26, %dot_general3A_44 : vector<1000x32xf32>
    %get3A_46 = arith.constant 0 : index
    %get3A_47 = arith.constant 0 : index
    %get3A_48 = vector.load %arg10[%get3A_46, %get3A_47] : memref<1x32xf32, #tpu.memory_space<vmem>>, vector<1x32xf32>
    %add3A_49 = vector.broadcast %get3A_48 : vector<1x32xf32> to vector<1000x32xf32>
    %add3A_50 = arith.addf %add3A_45, %add3A_49 : vector<1000x32xf32>
    %max3A = arith.constant 0.000000e+00 : f32
    %max3A_51 = vector.broadcast %max3A : f32 to vector<1000x32xf32>
    %max3A_52 = arith.maximumf %add3A_50, %max3A_51 : vector<1000x32xf32>
    %get3A_53 = arith.constant 1 : index
    %get3A_54 = arith.constant 0 : index
    %get3A_55 = arith.constant 0 : index
    %get3A_56 = vector.load %arg5[%get3A_53, %get3A_54, %get3A_55] : memref<2x1000x64xf32, #tpu.memory_space<vmem>>, vector<1x1000x64xf32>
    %get3A_57 = vector.shape_cast %get3A_56 : vector<1x1000x64xf32> to vector<1000x64xf32>
    %mul3A_58 = vector.broadcast %add3A_2 : f32 to vector<1000x64xf32>
    %mul3A_59 = arith.mulf %mul3A_58, %get3A_57 : vector<1000x64xf32>
    %get3A_60 = arith.constant 0 : index
    %get3A_61 = arith.constant 0 : index
    %get3A_62 = arith.constant 0 : index
    %get3A_63 = vector.load %arg4[%get3A_60, %get3A_61, %get3A_62] : memref<1x1000x128xf32, #tpu.memory_space<vmem>>, vector<1x1000x128xf32>
    %get3A_64 = vector.shape_cast %get3A_63 : vector<1x1000x128xf32> to vector<1000x128xf32>
    %slice3A_65 = vector.extract_strided_slice %get3A_64 {offsets = [0, 64], sizes = [1000, 64], strides = [1, 1]} : vector<1000x128xf32> to vector<1000x64xf32>
    %add3A_66 = arith.addf %mul3A_59, %slice3A_65 : vector<1000x64xf32>
    %get3A_67 = arith.constant 0 : index
    %get3A_68 = arith.constant 0 : index
    %get3A_69 = vector.load %arg7[%get3A_67, %get3A_68] : memref<64x32xf32, #tpu.memory_space<vmem>>, vector<64x32xf32>
    %dot_general3A_70 = arith.constant dense<0.000000e+00> : vector<1000x32xf32>
    %dot_general3A_71 = tpu.matmul %add3A_66, %get3A_69, %dot_general3A_70 {dimension_numbers = #tpu.dot_dimension_numbers<[1], [0], [0], [1], [0, 0, 1, 1], [], []>, transpose_lhs_hint = false} : vector<1000x64xf32>, vector<64x32xf32>, vector<1000x32xf32> -> vector<1000x32xf32>
    %add3A_72 = arith.addf %dot_general3A_26, %dot_general3A_71 : vector<1000x32xf32>
    %get3A_73 = arith.constant 0 : index
    %get3A_74 = arith.constant 0 : index
    %get3A_75 = vector.load %arg10[%get3A_73, %get3A_74] : memref<1x32xf32, #tpu.memory_space<vmem>>, vector<1x32xf32>
    %add3A_76 = vector.broadcast %get3A_75 : vector<1x32xf32> to vector<1000x32xf32>
    %add3A_77 = arith.addf %add3A_72, %add3A_76 : vector<1000x32xf32>
    %max3A_78 = arith.constant 0.000000e+00 : f32
    %max3A_79 = vector.broadcast %max3A_78 : f32 to vector<1000x32xf32>
    %max3A_80 = arith.maximumf %add3A_77, %max3A_79 : vector<1000x32xf32>
    %broadcast_in_dim3A = arith.constant 0.000000e+00 : f32
    %broadcast_in_dim3A_81 = vector.broadcast %broadcast_in_dim3A : f32 to vector<1000x64xf32>
    %concatenate3A = tpu.concatenate %max3A_52, %max3A_80, %broadcast_in_dim3A_81 in 1 : vector<1000x32xf32>, vector<1000x32xf32>, vector<1000x64xf32> -> vector<1000x128xf32>
    %swap3A = arith.constant 0 : index
    %swap3A_82 = arith.constant 0 : index
    %swap3A_83 = vector.load %arg12[%swap3A, %swap3A_82] : memref<1000x128xf32, #tpu.memory_space<vmem>>, vector<1000x128xf32>
    tpu.vector_store %arg12[%swap3A, %swap3A_82], %concatenate3A {strides = array<i32>} : memref<1000x128xf32, #tpu.memory_space<vmem>>, vector<1000x128xf32>,
    %mul3A_84 = vector.broadcast %add3A_7 : f32 to vector<1000x128xf32>
    %mul3A_85 = arith.mulf %mul3A_84, %get3A_15 : vector<1000x128xf32>
    %add3A_86 = arith.addf %mul3A_85, %get3A_20 : vector<1000x128xf32>
    %get3A_87 = arith.constant 0 : index
    %get3A_88 = arith.constant 0 : index
    %get3A_89 = vector.load %arg8[%get3A_87, %get3A_88] : memref<128x16xf32, #tpu.memory_space<vmem>>, vector<128x16xf32>
    %dot_general3A_90 = arith.constant dense<0.000000e+00> : vector<1000x16xf32>
    %dot_general3A_91 = tpu.matmul %add3A_86, %get3A_89, %dot_general3A_90 {dimension_numbers = #tpu.dot_dimension_numbers<[1], [0], [0], [1], [0, 0, 1, 1], [], []>, transpose_lhs_hint = false} : vector<1000x128xf32>, vector<128x16xf32>, vector<1000x16xf32> -> vector<1000x16xf32>
    %mul3A_92 = vector.broadcast %add3A_12 : f32 to vector<1000x128xf32>
    %mul3A_93 = arith.mulf %mul3A_92, %get3A_15 : vector<1000x128xf32>
    %add3A_94 = arith.addf %mul3A_93, %get3A_20 : vector<1000x128xf32>
    %get3A_95 = arith.constant 0 : index
    %get3A_96 = arith.constant 0 : index
    %get3A_97 = vector.load %arg9[%get3A_95, %get3A_96] : memref<128x16xf32, #tpu.memory_space<vmem>>, vector<128x16xf32>
    %dot_general3A_98 = arith.constant dense<0.000000e+00> : vector<1000x16xf32>
    %dot_general3A_99 = tpu.matmul %add3A_94, %get3A_97, %dot_general3A_98 {dimension_numbers = #tpu.dot_dimension_numbers<[1], [0], [0], [1], [0, 0, 1, 1], [], []>, transpose_lhs_hint = false} : vector<1000x128xf32>, vector<128x16xf32>, vector<1000x16xf32> -> vector<1000x16xf32>
    %concatenate3A_100 = tpu.concatenate %dot_general3A_91, %dot_general3A_99 in 1 : vector<1000x16xf32>, vector<1000x16xf32> -> vector<1000x32xf32>
    %get3A_101 = arith.constant 0 : index
    %get3A_102 = arith.constant 0 : index
    %get3A_103 = vector.load %arg11[%get3A_101, %get3A_102] : memref<1x32xf32, #tpu.memory_space<vmem>>, vector<1x32xf32>
    %add3A_104 = vector.broadcast %get3A_103 : vector<1x32xf32> to vector<1000x32xf32>
    %add3A_105 = arith.addf %concatenate3A_100, %add3A_104 : vector<1000x32xf32>
    %swap3A_106 = arith.constant 0 : index
    %swap3A_107 = arith.constant 0 : index
    %swap3A_108 = vector.load %arg13[%swap3A_106, %swap3A_107] : memref<1000x32xf32, #tpu.memory_space<vmem>>, vector<1000x32xf32>
    tpu.vector_store %arg13[%swap3A_106, %swap3A_107], %add3A_105 {strides = array<i32>} : memref<1000x32xf32, #tpu.memory_space<vmem>>, vector<1000x32xf32>,
    return
  }
  func.func @transform_0(%arg0: i32) -> (i32, i32) {
    %c0_i32 = arith.constant 0 : i32
    %c0_i32_0 = arith.constant 0 : i32
    %c0_i32_1 = arith.constant 0 : i32
    return %c0_i32, %c0_i32_0 : i32, i32
  }
  func.func @transform_1(%arg0: i32) -> (i32, i32) {
    %c0_i32 = arith.constant 0 : i32
    %c0_i32_0 = arith.constant 0 : i32
    return %arg0, %c0_i32 : i32, i32
  }
  func.func @transform_2(%arg0: i32) -> (i32, i32, i32) {
    %c0_i32 = arith.constant 0 : i32
    %c0_i32_0 = arith.constant 0 : i32
    %c0_i32_1 = arith.constant 0 : i32
    return %c0_i32, %arg0, %c0_i32_0 : i32, i32, i32
  }
  func.func @transform_3(%arg0: i32) -> (i32, i32, i32) {
    %c1_i32 = arith.constant 1 : i32
    %c0_i32 = arith.constant 0 : i32
    %c0_i32_0 = arith.constant 0 : i32
    return %c1_i32, %arg0, %c0_i32 : i32, i32, i32
  }
  func.func @transform_4(%arg0: i32) -> (i32, i32, i32) {
    %c0_i32 = arith.constant 0 : i32
    %c0_i32_0 = arith.constant 0 : i32
    %c0_i32_1 = arith.constant 0 : i32
    return %c0_i32, %arg0, %c0_i32_0 : i32, i32, i32
  }
  func.func @transform_5(%arg0: i32) -> (i32, i32) {
    %c0_i32 = arith.constant 0 : i32
    %c0_i32_0 = arith.constant 0 : i32
    %c0_i32_1 = arith.constant 0 : i32
    return %c0_i32, %c0_i32_0 : i32, i32
  }
  func.func @transform_6(%arg0: i32) -> (i32, i32) {
    %c0_i32 = arith.constant 0 : i32
    %c0_i32_0 = arith.constant 0 : i32
    %c0_i32_1 = arith.constant 0 : i32
    return %c0_i32, %c0_i32_0 : i32, i32
  }
  func.func @transform_7(%arg0: i32) -> (i32, i32) {
    %c0_i32 = arith.constant 0 : i32
    %c0_i32_0 = arith.constant 0 : i32
    %c0_i32_1 = arith.constant 0 : i32
    return %c0_i32, %c0_i32_0 : i32, i32
  }
  func.func @transform_8(%arg0: i32) -> (i32, i32) {
    %c0_i32 = arith.constant 0 : i32
    %c0_i32_0 = arith.constant 0 : i32
    %c0_i32_1 = arith.constant 0 : i32
    return %c0_i32, %c0_i32_0 : i32, i32
  }
  func.func @transform_9(%arg0: i32) -> (i32, i32) {
    %c0_i32 = arith.constant 0 : i32
    %c0_i32_0 = arith.constant 0 : i32
    %c0_i32_1 = arith.constant 0 : i32
    return %c0_i32, %c0_i32_0 : i32, i32
  }
  func.func @transform_10(%arg0: i32) -> (i32, i32) {
    %c0_i32 = arith.constant 0 : i32
    %c0_i32_0 = arith.constant 0 : i32
    %c0_i32_1 = arith.constant 0 : i32
    return %c0_i32, %c0_i32_0 : i32, i32
  }
  func.func @transform_11(%arg0: i32) -> (i32, i32) {
    %c0_i32 = arith.constant 0 : i32
    %c0_i32_0 = arith.constant 0 : i32
    return %arg0, %c0_i32 : i32, i32
  }
  func.func @transform_12(%arg0: i32) -> (i32, i32) {
    %c0_i32 = arith.constant 0 : i32
    %c0_i32_0 = arith.constant 0 : i32
    return %arg0, %c0_i32 : i32, i32
  }
}

module attributes {stable_mosaic.version = 14 : i64} {
  func.func @sB_body(%arg0: i32, %arg1: memref<3x1xf32, #tpu.memory_space<smem>>, %arg2: memref<1000x128xf32, #tpu.memory_space<vmem>>, %arg3: memref<1x1000x128xf32, #tpu.memory_space<vmem>>, %arg4: memref<1x1000x128xf32, #tpu.memory_space<vmem>>, %arg5: memref<1000x32xf32, #tpu.memory_space<vmem>>, %arg6: memref<32x16xf32, #tpu.memory_space<vmem>>, %arg7: memref<32x16xf32, #tpu.memory_space<vmem>>, %arg8: memref<1x1000x16xf32, #tpu.memory_space<vmem>>, %arg9: memref<1x16xf32, #tpu.memory_space<vmem>>, %arg10: memref<2x1000x16xf32, #tpu.memory_space<vmem>>, %arg11: memref<2x1000x16xf32, #tpu.memory_space<vmem>>, %arg12: memref<1x1000x16xf32, #tpu.memory_space<vmem>>, %arg13: memref<1x1000x16xf32, #tpu.memory_space<vmem>>) attributes {dimension_semantics = [#tpu.dimension_semantics<arbitrary>], iteration_bounds = array<i64: 10>, scalar_prefetch = 0 : i64, scratch_operands = 0 : i64, tpu.core_type = #tpu.core_type<tc>, window_params = [{transform_indices = @transform_0, window_bounds = array<i64: 3, 1>}, {transform_indices = @transform_1, window_bounds = array<i64: 1000, 128>}, {transform_indices = @transform_2, window_bounds = array<i64: 1, 1000, 128>}, {transform_indices = @transform_3, window_bounds = array<i64: 1, 1000, 128>}, {transform_indices = @transform_4, window_bounds = array<i64: 1000, 32>}, {pipeline_mode = #tpu.pipeline_mode<synchronous>, transform_indices = @transform_5, window_bounds = array<i64: 32, 16>}, {pipeline_mode = #tpu.pipeline_mode<synchronous>, transform_indices = @transform_6, window_bounds = array<i64: 32, 16>}, {transform_indices = @transform_7, window_bounds = array<i64: 1, 1000, 16>}, {pipeline_mode = #tpu.pipeline_mode<synchronous>, transform_indices = @transform_8, window_bounds = array<i64: 1, 16>}, {transform_indices = @transform_9, window_bounds = array<i64: 2, 1000, 16>}, {transform_indices = @transform_10, window_bounds = array<i64: 2, 1000, 16>}, {transform_indices = @transform_11, window_bounds = array<i64: 1, 1000, 16>}, {transform_indices = @transform_12, window_bounds = array<i64: 1, 1000, 16>}]} {
    %get3A = arith.constant 1 : index
    %get3A_0 = arith.constant 0 : index
    %get3A_1 = memref.load %arg1[%get3A, %get3A_0] : memref<3x1xf32, #tpu.memory_space<smem>>
    %add3A = arith.constant 1.000000e+00 : f32
    %add3A_2 = arith.addf %add3A, %get3A_1 : f32
    %get3A_3 = arith.constant 2 : index
    %get3A_4 = arith.constant 0 : index
    %get3A_5 = memref.load %arg1[%get3A_3, %get3A_4] : memref<3x1xf32, #tpu.memory_space<smem>>
    %add3A_6 = arith.constant 1.000000e+00 : f32
    %add3A_7 = arith.addf %add3A_6, %get3A_5 : f32
    %get3A_8 = arith.constant 0 : index
    %get3A_9 = arith.constant 0 : index
    %get3A_10 = arith.constant 0 : index
    %get3A_11 = vector.load %arg3[%get3A_8, %get3A_9, %get3A_10] : memref<1x1000x128xf32, #tpu.memory_space<vmem>>, vector<1x1000x128xf32>
    %get3A_12 = vector.shape_cast %get3A_11 : vector<1x1000x128xf32> to vector<1000x128xf32>
    %get3A_13 = arith.constant 0 : index
    %get3A_14 = arith.constant 0 : index
    %get3A_15 = arith.constant 0 : index
    %get3A_16 = vector.load %arg4[%get3A_13, %get3A_14, %get3A_15] : memref<1x1000x128xf32, #tpu.memory_space<vmem>>, vector<1x1000x128xf32>
    %get3A_17 = vector.shape_cast %get3A_16 : vector<1x1000x128xf32> to vector<1000x128xf32>
    %add3A_18 = arith.addf %get3A_12, %get3A_17 : vector<1000x128xf32>
    %get3A_19 = arith.constant 0 : index
    %get3A_20 = arith.constant 0 : index
    %get3A_21 = vector.load %arg9[%get3A_19, %get3A_20] : memref<1x16xf32, #tpu.memory_space<vmem>>, vector<1x16xf32>
    %logistic3A = arith.negf %get3A_21 : vector<1x16xf32>
    %logistic3A_22 = math.exp %logistic3A : vector<1x16xf32>
    %logistic3A_23 = arith.constant 1.000000e+00 : f32
    %logistic3A_24 = vector.broadcast %logistic3A_23 : f32 to vector<1x16xf32>
    %logistic3A_25 = arith.addf %logistic3A_24, %logistic3A_22 : vector<1x16xf32>
    %logistic3A_26 = arith.divf %logistic3A_24, %logistic3A_25 : vector<1x16xf32>
    %get3A_27 = arith.constant 0 : index
    %get3A_28 = arith.constant 0 : index
    %get3A_29 = vector.load %arg5[%get3A_27, %get3A_28] : memref<1000x32xf32, #tpu.memory_space<vmem>>, vector<1000x32xf32>
    %get3A_30 = arith.constant 0 : index
    %get3A_31 = arith.constant 0 : index
    %get3A_32 = vector.load %arg2[%get3A_30, %get3A_31] : memref<1000x128xf32, #tpu.memory_space<vmem>>, vector<1000x32xf32>
    %slice3A = vector.extract_strided_slice %add3A_18 {offsets = [0, 0], sizes = [1000, 32], strides = [1, 1]} : vector<1000x128xf32> to vector<1000x32xf32>
    %slice3A_33 = vector.extract_strided_slice %get3A_29 {offsets = [0, 0], sizes = [1000, 16], strides = [1, 1]} : vector<1000x32xf32> to vector<1000x16xf32>
    %mul3A = vector.broadcast %add3A_2 : f32 to vector<1000x32xf32>
    %mul3A_34 = arith.mulf %mul3A, %get3A_32 : vector<1000x32xf32>
    %add3A_35 = arith.addf %mul3A_34, %slice3A : vector<1000x32xf32>
    %get3A_36 = arith.constant 0 : index
    %get3A_37 = arith.constant 0 : index
    %get3A_38 = vector.load %arg6[%get3A_36, %get3A_37] : memref<32x16xf32, #tpu.memory_space<vmem>>, vector<32x16xf32>
    %dot_general3A = arith.constant dense<0.000000e+00> : vector<1000x16xf32>
    %dot_general3A_39 = tpu.matmul %add3A_35, %get3A_38, %dot_general3A {dimension_numbers = #tpu.dot_dimension_numbers<[1], [0], [0], [1], [0, 0, 1, 1], [], []>, transpose_lhs_hint = false} : vector<1000x32xf32>, vector<32x16xf32>, vector<1000x16xf32> -> vector<1000x16xf32>
    %add3A_40 = arith.addf %slice3A_33, %dot_general3A_39 : vector<1000x16xf32>
    %slice3A_41 = vector.extract_strided_slice %get3A_29 {offsets = [0, 16], sizes = [1000, 16], strides = [1, 1]} : vector<1000x32xf32> to vector<1000x16xf32>
    %mul3A_42 = vector.broadcast %add3A_7 : f32 to vector<1000x32xf32>
    %mul3A_43 = arith.mulf %mul3A_42, %get3A_32 : vector<1000x32xf32>
    %add3A_44 = arith.addf %mul3A_43, %slice3A : vector<1000x32xf32>
    %get3A_45 = arith.constant 0 : index
    %get3A_46 = arith.constant 0 : index
    %get3A_47 = vector.load %arg7[%get3A_45, %get3A_46] : memref<32x16xf32, #tpu.memory_space<vmem>>, vector<32x16xf32>
    %dot_general3A_48 = arith.constant dense<0.000000e+00> : vector<1000x16xf32>
    %dot_general3A_49 = tpu.matmul %add3A_44, %get3A_47, %dot_general3A_48 {dimension_numbers = #tpu.dot_dimension_numbers<[1], [0], [0], [1], [0, 0, 1, 1], [], []>, transpose_lhs_hint = false} : vector<1000x32xf32>, vector<32x16xf32>, vector<1000x16xf32> -> vector<1000x16xf32>
    %add3A_50 = arith.addf %slice3A_41, %dot_general3A_49 : vector<1000x16xf32>
    %mul3A_51 = arith.constant 5.000000e-01 : f32
    %mul3A_52 = vector.broadcast %mul3A_51 : f32 to vector<1000x16xf32>
    %mul3A_53 = arith.mulf %add3A_50, %mul3A_52 : vector<1000x16xf32>
    %exp3A = math.exp %mul3A_53 : vector<1000x16xf32>
    %swap3A = arith.constant 0 : index
    %swap3A_54 = arith.constant 0 : index
    %swap3A_55 = arith.constant 0 : index
    %swap3A_56 = vector.load %arg10[%swap3A, %swap3A_54, %swap3A_55] : memref<2x1000x16xf32, #tpu.memory_space<vmem>>, vector<1x1000x16xf32>
    %swap3A_57 = vector.shape_cast %swap3A_56 : vector<1x1000x16xf32> to vector<1000x16xf32>
    %swap3A_58 = vector.shape_cast %add3A_40 : vector<1000x16xf32> to vector<1x1000x16xf32>
    tpu.vector_store %arg10[%swap3A, %swap3A_54, %swap3A_55], %swap3A_58 {strides = array<i32>} : memref<2x1000x16xf32, #tpu.memory_space<vmem>>, vector<1x1000x16xf32>,
    %swap3A_59 = arith.constant 0 : index
    %swap3A_60 = arith.constant 0 : index
    %swap3A_61 = arith.constant 0 : index
    %swap3A_62 = vector.load %arg11[%swap3A_59, %swap3A_60, %swap3A_61] : memref<2x1000x16xf32, #tpu.memory_space<vmem>>, vector<1x1000x16xf32>
    %swap3A_63 = vector.shape_cast %swap3A_62 : vector<1x1000x16xf32> to vector<1000x16xf32>
    %swap3A_64 = vector.shape_cast %exp3A : vector<1000x16xf32> to vector<1x1000x16xf32>
    tpu.vector_store %arg11[%swap3A_59, %swap3A_60, %swap3A_61], %swap3A_64 {strides = array<i32>} : memref<2x1000x16xf32, #tpu.memory_space<vmem>>, vector<1x1000x16xf32>,
    %get3A_65 = arith.constant 0 : index
    %get3A_66 = arith.constant 32 : index
    %get3A_67 = vector.load %arg2[%get3A_65, %get3A_66] : memref<1000x128xf32, #tpu.memory_space<vmem>>, vector<1000x32xf32>
    %slice3A_68 = vector.extract_strided_slice %add3A_18 {offsets = [0, 32], sizes = [1000, 32], strides = [1, 1]} : vector<1000x128xf32> to vector<1000x32xf32>
    %slice3A_69 = vector.extract_strided_slice %get3A_29 {offsets = [0, 0], sizes = [1000, 16], strides = [1, 1]} : vector<1000x32xf32> to vector<1000x16xf32>
    %mul3A_70 = vector.broadcast %add3A_2 : f32 to vector<1000x32xf32>
    %mul3A_71 = arith.mulf %mul3A_70, %get3A_67 : vector<1000x32xf32>
    %add3A_72 = arith.addf %mul3A_71, %slice3A_68 : vector<1000x32xf32>
    %get3A_73 = arith.constant 0 : index
    %get3A_74 = arith.constant 0 : index
    %get3A_75 = vector.load %arg6[%get3A_73, %get3A_74] : memref<32x16xf32, #tpu.memory_space<vmem>>, vector<32x16xf32>
    %dot_general3A_76 = arith.constant dense<0.000000e+00> : vector<1000x16xf32>
    %dot_general3A_77 = tpu.matmul %add3A_72, %get3A_75, %dot_general3A_76 {dimension_numbers = #tpu.dot_dimension_numbers<[1], [0], [0], [1], [0, 0, 1, 1], [], []>, transpose_lhs_hint = false} : vector<1000x32xf32>, vector<32x16xf32>, vector<1000x16xf32> -> vector<1000x16xf32>
    %add3A_78 = arith.addf %slice3A_69, %dot_general3A_77 : vector<1000x16xf32>
    %slice3A_79 = vector.extract_strided_slice %get3A_29 {offsets = [0, 16], sizes = [1000, 16], strides = [1, 1]} : vector<1000x32xf32> to vector<1000x16xf32>
    %mul3A_80 = vector.broadcast %add3A_7 : f32 to vector<1000x32xf32>
    %mul3A_81 = arith.mulf %mul3A_80, %get3A_67 : vector<1000x32xf32>
    %add3A_82 = arith.addf %mul3A_81, %slice3A_68 : vector<1000x32xf32>
    %get3A_83 = arith.constant 0 : index
    %get3A_84 = arith.constant 0 : index
    %get3A_85 = vector.load %arg7[%get3A_83, %get3A_84] : memref<32x16xf32, #tpu.memory_space<vmem>>, vector<32x16xf32>
    %dot_general3A_86 = arith.constant dense<0.000000e+00> : vector<1000x16xf32>
    %dot_general3A_87 = tpu.matmul %add3A_82, %get3A_85, %dot_general3A_86 {dimension_numbers = #tpu.dot_dimension_numbers<[1], [0], [0], [1], [0, 0, 1, 1], [], []>, transpose_lhs_hint = false} : vector<1000x32xf32>, vector<32x16xf32>, vector<1000x16xf32> -> vector<1000x16xf32>
    %add3A_88 = arith.addf %slice3A_79, %dot_general3A_87 : vector<1000x16xf32>
    %mul3A_89 = arith.constant 5.000000e-01 : f32
    %mul3A_90 = vector.broadcast %mul3A_89 : f32 to vector<1000x16xf32>
    %mul3A_91 = arith.mulf %add3A_88, %mul3A_90 : vector<1000x16xf32>
    %exp3A_92 = math.exp %mul3A_91 : vector<1000x16xf32>
    %swap3A_93 = arith.constant 1 : index
    %swap3A_94 = arith.constant 0 : index
    %swap3A_95 = arith.constant 0 : index
    %swap3A_96 = vector.load %arg10[%swap3A_93, %swap3A_94, %swap3A_95] : memref<2x1000x16xf32, #tpu.memory_space<vmem>>, vector<1x1000x16xf32>
    %swap3A_97 = vector.shape_cast %swap3A_96 : vector<1x1000x16xf32> to vector<1000x16xf32>
    %swap3A_98 = vector.shape_cast %add3A_78 : vector<1000x16xf32> to vector<1x1000x16xf32>
    tpu.vector_store %arg10[%swap3A_93, %swap3A_94, %swap3A_95], %swap3A_98 {strides = array<i32>} : memref<2x1000x16xf32, #tpu.memory_space<vmem>>, vector<1x1000x16xf32>,
    %swap3A_99 = arith.constant 1 : index
    %swap3A_100 = arith.constant 0 : index
    %swap3A_101 = arith.constant 0 : index
    %swap3A_102 = vector.load %arg11[%swap3A_99, %swap3A_100, %swap3A_101] : memref<2x1000x16xf32, #tpu.memory_space<vmem>>, vector<1x1000x16xf32>
    %swap3A_103 = vector.shape_cast %swap3A_102 : vector<1x1000x16xf32> to vector<1000x16xf32>
    %swap3A_104 = vector.shape_cast %exp3A_92 : vector<1000x16xf32> to vector<1x1000x16xf32>
    tpu.vector_store %arg11[%swap3A_99, %swap3A_100, %swap3A_101], %swap3A_104 {strides = array<i32>} : memref<2x1000x16xf32, #tpu.memory_space<vmem>>, vector<1x1000x16xf32>,
    %get3A_105 = arith.constant 0 : index
    %get3A_106 = arith.constant 0 : index
    %get3A_107 = arith.constant 0 : index
    %get3A_108 = vector.load %arg8[%get3A_105, %get3A_106, %get3A_107] : memref<1x1000x16xf32, #tpu.memory_space<vmem>>, vector<1x1000x16xf32>
    %get3A_109 = vector.shape_cast %get3A_108 : vector<1x1000x16xf32> to vector<1000x16xf32>
    %mul3A_110 = arith.mulf %get3A_109, %exp3A_92 : vector<1000x16xf32>
    %add3A_111 = arith.addf %mul3A_110, %add3A_78 : vector<1000x16xf32>
    %swap3A_112 = arith.constant 0 : index
    %swap3A_113 = arith.constant 0 : index
    %swap3A_114 = arith.constant 0 : index
    %swap3A_115 = vector.load %arg12[%swap3A_112, %swap3A_113, %swap3A_114] : memref<1x1000x16xf32, #tpu.memory_space<vmem>>, vector<1x1000x16xf32>
    %swap3A_116 = vector.shape_cast %swap3A_115 : vector<1x1000x16xf32> to vector<1000x16xf32>
    %swap3A_117 = vector.shape_cast %add3A_111 : vector<1000x16xf32> to vector<1x1000x16xf32>
    tpu.vector_store %arg12[%swap3A_112, %swap3A_113, %swap3A_114], %swap3A_117 {strides = array<i32>} : memref<1x1000x16xf32, #tpu.memory_space<vmem>>, vector<1x1000x16xf32>,
    %mul3A_118 = vector.broadcast %logistic3A_26 : vector<1x16xf32> to vector<1000x16xf32>
    %mul3A_119 = arith.mulf %add3A_111, %mul3A_118 : vector<1000x16xf32>
    %swap3A_120 = arith.constant 0 : index
    %swap3A_121 = arith.constant 0 : index
    %swap3A_122 = arith.constant 0 : index
    %swap3A_123 = vector.load %arg13[%swap3A_120, %swap3A_121, %swap3A_122] : memref<1x1000x16xf32, #tpu.memory_space<vmem>>, vector<1x1000x16xf32>
    %swap3A_124 = vector.shape_cast %swap3A_123 : vector<1x1000x16xf32> to vector<1000x16xf32>
    %swap3A_125 = vector.shape_cast %mul3A_119 : vector<1000x16xf32> to vector<1x1000x16xf32>
    tpu.vector_store %arg13[%swap3A_120, %swap3A_121, %swap3A_122], %swap3A_125 {strides = array<i32>} : memref<1x1000x16xf32, #tpu.memory_space<vmem>>, vector<1x1000x16xf32>,
    return
  }
  func.func @transform_0(%arg0: i32) -> (i32, i32) {
    %c0_i32 = arith.constant 0 : i32
    %c0_i32_0 = arith.constant 0 : i32
    %c0_i32_1 = arith.constant 0 : i32
    return %c0_i32, %c0_i32_0 : i32, i32
  }
  func.func @transform_1(%arg0: i32) -> (i32, i32) {
    %c0_i32 = arith.constant 0 : i32
    %c0_i32_0 = arith.constant 0 : i32
    return %arg0, %c0_i32 : i32, i32
  }
  func.func @transform_2(%arg0: i32) -> (i32, i32, i32) {
    %c0_i32 = arith.constant 0 : i32
    %c0_i32_0 = arith.constant 0 : i32
    %c0_i32_1 = arith.constant 0 : i32
    return %c0_i32, %arg0, %c0_i32_0 : i32, i32, i32
  }
  func.func @transform_3(%arg0: i32) -> (i32, i32, i32) {
    %c1_i32 = arith.constant 1 : i32
    %c0_i32 = arith.constant 0 : i32
    %c0_i32_0 = arith.constant 0 : i32
    return %c1_i32, %arg0, %c0_i32 : i32, i32, i32
  }
  func.func @transform_4(%arg0: i32) -> (i32, i32) {
    %c0_i32 = arith.constant 0 : i32
    %c0_i32_0 = arith.constant 0 : i32
    return %arg0, %c0_i32 : i32, i32
  }
  func.func @transform_5(%arg0: i32) -> (i32, i32) {
    %c0_i32 = arith.constant 0 : i32
    %c0_i32_0 = arith.constant 0 : i32
    %c0_i32_1 = arith.constant 0 : i32
    return %c0_i32, %c0_i32_0 : i32, i32
  }
  func.func @transform_6(%arg0: i32) -> (i32, i32) {
    %c0_i32 = arith.constant 0 : i32
    %c0_i32_0 = arith.constant 0 : i32
    %c0_i32_1 = arith.constant 0 : i32
    return %c0_i32, %c0_i32_0 : i32, i32
  }
  func.func @transform_7(%arg0: i32) -> (i32, i32, i32) {
    %c0_i32 = arith.constant 0 : i32
    %c0_i32_0 = arith.constant 0 : i32
    %c0_i32_1 = arith.constant 0 : i32
    return %c0_i32, %arg0, %c0_i32_0 : i32, i32, i32
  }
  func.func @transform_8(%arg0: i32) -> (i32, i32) {
    %c0_i32 = arith.constant 0 : i32
    %c0_i32_0 = arith.constant 0 : i32
    %c0_i32_1 = arith.constant 0 : i32
    return %c0_i32, %c0_i32_0 : i32, i32
  }
  func.func @transform_9(%arg0: i32) -> (i32, i32, i32) {
    %c0_i32 = arith.constant 0 : i32
    %c0_i32_0 = arith.constant 0 : i32
    %c0_i32_1 = arith.constant 0 : i32
    return %c0_i32, %arg0, %c0_i32_0 : i32, i32, i32
  }
  func.func @transform_10(%arg0: i32) -> (i32, i32, i32) {
    %c0_i32 = arith.constant 0 : i32
    %c0_i32_0 = arith.constant 0 : i32
    %c0_i32_1 = arith.constant 0 : i32
    return %c0_i32, %arg0, %c0_i32_0 : i32, i32, i32
  }
  func.func @transform_11(%arg0: i32) -> (i32, i32, i32) {
    %c0_i32 = arith.constant 0 : i32
    %c0_i32_0 = arith.constant 0 : i32
    %c0_i32_1 = arith.constant 0 : i32
    return %c0_i32, %arg0, %c0_i32_0 : i32, i32, i32
  }
  func.func @transform_12(%arg0: i32) -> (i32, i32, i32) {
    %c0_i32 = arith.constant 0 : i32
    %c0_i32_0 = arith.constant 0 : i32
    %c0_i32_1 = arith.constant 0 : i32
    return %c0_i32, %arg0, %c0_i32_0 : i32, i32, i32
  }
}

module attributes {stable_mosaic.version = 14 : i64} {
  func.func @dec_body(%arg0: i32, %arg1: i32, %arg2: memref<1x400x16xf32, #tpu.memory_space<vmem>>, %arg3: memref<1x10000x16xf32, #tpu.memory_space<vmem>>, %arg4: memref<1x400x10000xf32, #tpu.memory_space<vmem>>) attributes {dimension_semantics = [#tpu.dimension_semantics<parallel>, #tpu.dimension_semantics<parallel>], iteration_bounds = array<i64: 1, 25>, scalar_prefetch = 0 : i64, scratch_operands = 0 : i64, tpu.core_type = #tpu.core_type<tc>, window_params = [{transform_indices = @transform_0, window_bounds = array<i64: 1, 400, 16>}, {transform_indices = @transform_1, window_bounds = array<i64: 1, 10000, 16>}, {transform_indices = @transform_2, window_bounds = array<i64: 1, 400, 10000>}]} {
    %get3A = arith.constant 0 : index
    %get3A_0 = arith.constant 0 : index
    %get3A_1 = arith.constant 0 : index
    %get3A_2 = vector.load %arg2[%get3A, %get3A_0, %get3A_1] : memref<1x400x16xf32, #tpu.memory_space<vmem>>, vector<1x400x16xf32>
    %get3A_3 = vector.shape_cast %get3A_2 : vector<1x400x16xf32> to vector<400x16xf32>
    %get3A_4 = arith.constant 0 : index
    %get3A_5 = arith.constant 0 : index
    %get3A_6 = arith.constant 0 : index
    %get3A_7 = vector.load %arg3[%get3A_4, %get3A_5, %get3A_6] : memref<1x10000x16xf32, #tpu.memory_space<vmem>>, vector<1x10000x16xf32>
    %get3A_8 = vector.shape_cast %get3A_7 : vector<1x10000x16xf32> to vector<10000x16xf32>
    %dot_general3A = arith.constant dense<0.000000e+00> : vector<400x10000xf32>
    %dot_general3A_9 = tpu.matmul %get3A_3, %get3A_8, %dot_general3A {dimension_numbers = #tpu.dot_dimension_numbers<[1], [1], [0], [0], [0, 0, 1, 0], [], []>, transpose_lhs_hint = false} : vector<400x16xf32>, vector<10000x16xf32>, vector<400x10000xf32> -> vector<400x10000xf32>
    %min3A = arith.constant 1.000000e+01 : f32
    %min3A_10 = vector.broadcast %min3A : f32 to vector<400x10000xf32>
    %min3A_11 = arith.minimumf %dot_general3A_9, %min3A_10 : vector<400x10000xf32>
    %exp3A = math.exp %min3A_11 : vector<400x10000xf32>
    %neg3A = arith.constant 0.000000e+00 : f32
    %neg3A_12 = vector.broadcast %neg3A : f32 to vector<400x10000xf32>
    %neg3A_13 = arith.subf %neg3A_12, %exp3A : vector<400x10000xf32>
    %exp3A_14 = math.exp %neg3A_13 : vector<400x10000xf32>
    %sub3A = arith.constant 1.000000e+00 : f32
    %sub3A_15 = vector.broadcast %sub3A : f32 to vector<400x10000xf32>
    %sub3A_16 = arith.subf %sub3A_15, %exp3A_14 : vector<400x10000xf32>
    %swap3A = arith.constant 0 : index
    %swap3A_17 = arith.constant 0 : index
    %swap3A_18 = arith.constant 0 : index
    %swap3A_19 = vector.load %arg4[%swap3A, %swap3A_17, %swap3A_18] : memref<1x400x10000xf32, #tpu.memory_space<vmem>>, vector<1x400x10000xf32>
    %swap3A_20 = vector.shape_cast %swap3A_19 : vector<1x400x10000xf32> to vector<400x10000xf32>
    %swap3A_21 = vector.shape_cast %sub3A_16 : vector<400x10000xf32> to vector<1x400x10000xf32>
    tpu.vector_store %arg4[%swap3A, %swap3A_17, %swap3A_18], %swap3A_21 {strides = array<i32>} : memref<1x400x10000xf32, #tpu.memory_space<vmem>>, vector<1x400x10000xf32>,
    return
  }
  func.func @transform_0(%arg0: i32, %arg1: i32) -> (i32, i32, i32) {
    %c0_i32 = arith.constant 0 : i32
    %c0_i32_0 = arith.constant 0 : i32
    return %arg0, %arg1, %c0_i32 : i32, i32, i32
  }
  func.func @transform_1(%arg0: i32, %arg1: i32) -> (i32, i32, i32) {
    %c0_i32 = arith.constant 0 : i32
    %c0_i32_0 = arith.constant 0 : i32
    %c0_i32_1 = arith.constant 0 : i32
    return %arg0, %c0_i32, %c0_i32_0 : i32, i32, i32
  }
  func.func @transform_2(%arg0: i32, %arg1: i32) -> (i32, i32, i32) {
    %c0_i32 = arith.constant 0 : i32
    %c0_i32_0 = arith.constant 0 : i32
    return %arg0, %arg1, %c0_i32 : i32, i32, i32
  }
}

</mosaic_0001>

<sc_bundles>
// kernel: kernel.10.cloned.1.call-start
scs
__scs_entry_jumppad:
0x0: {  	(pc) =	sbr.rel $0x88, $3  }
0x1: {  	(tag) =	ssettag $0x0;
	lr =	simm.s32 $0x1  }
0x2: {  	[smem:$0x3F93] =	sst lr;
	_ =	strace $0xD0000000  }
0x3: {  	_ = 	snop  }
0x4: {  	_ = 	snop  }
0x5: {  	_ = 	snop  }
0x6: {  	_ = 	snop  }
0x7: {  	_ = 	snop  }
__scs_overlays_trampoline_lowered:
0x8: {  	[smem:$0x3FA2] =	sst s0  }
0x9: {  	[smem:$0x3FA3] =	sst s1  }
0xa: {  	[smem:$0x3FA4] =	sst s2  }
0xb: {  	[smem:$0x3FA5] =	sst s3  }
0xc: {  	[smem:$0x3FA6] =	sst s4  }
0xd: {  	[smem:$0x3FA7] =	sst s5  }
0xe: {  	[smem:$0x3FA8] =	sst s6  }
0xf: {  	[smem:$0x3FA9] =	sst s7  }
0x10: {  	[smem:$0x3FAA] =	sst s8  }
0x11: {  	[smem:$0x3FAB] =	sst s9;
	s0 =	simm.s32 @!p0 $0x0  }
0x12: {  	s1 =	sld [smem:$0x3F91];
	s0 =	simm.s32 @p0 $0x1  }
0x13: {  	[smem:$0x3FAC] =	sst s0;
	s0 =	simm.s32 @!p1 $0x0  }
0x14: {  	s2 =	sld [smem:$0x3F90];
	s0 =	simm.s32 @p1 $0x1  }
0x15: {  	[smem:$0x3FAD] =	sst s0;
	s0 =	simm.s32 @!p2 $0x0  }
0x16: {  	s3 =	sld [smem:$0x3FDB];
	s0 =	simm.s32 @p2 $0x1  }
0x17: {  	s4 =	simm.s32 $0x1BF5;
	[smem:$0x3FAF] =	sst s0  }
0x18: {  	s0 =	sld [smem:$0x3F92];
	_ =	swait.ge [sflag:s4], $0x0  }
0x19: {  	s7 =	sld [smem:$0x3F93]  }
0x1a: {  	s8 =	sadd.s32 $0xFFFFE003, lr  }
0x1b: {  	s9 =	sadd.s32 $0xFFFFFEF7, lr;
	s5 =	simm.s32 $0xFFFFFFFF;
	p2 =	slt.u32 s8, $0xFFFFF086  }
0x1c: {  	p1 =	slt.u32 s9, $0xF7A;
	s5 =	simm.s32 @!p2 $0x0  }
0x1d: {  	s5 =	simm.s32 @p1 $0x1;
	p0 =	seq.s32 s7, s2  }
0x1e: {  	s7 =	smul.u32 @!p0 $0xF7A, s2;
	p2 =	seq.s32 @!p0 s5, $0x0  }
0x1f: {  	s9 =	smul.u32 $0xF7A, s1;
	s8 =	simm.s32 @!p0 $0x1BF5;
	p2 =	por !p2, p0  }
0x20: {  	[sflag:s8] =	ssyncset.s32 @!p0 $0xFFFFF086;
	s6 =	sadd.s32 @!p0 s3, s7;
	s7 =	simm.s32 @!p0 $0x108  }
0x21: {  	s3 =	sadd.s32 s3, s9;
	s6 =	sadd.s32 @!p0 $0x88, s6;
	s7 =	simm.s32 @p2 $0x1082  }
0x22: {  	[simem:s7], [sflag:s8] =	dma.local @!p0 [hbm:s6], $0xF7A  }
0x23: {  	s9 =	sor.u32 $0xD0000000, s2;
	s6 =	simm.s32 $0x108;
	_ =	swait.ge @!p0 [sflag:s8], $0x0  }
0x24: {  	s3 =	sadd.s32 $0x88, s3;
	s6 =	simm.s32 @!p1 $0x1082;
	[sflag:s4] =	ssyncset.s32 $0xFFFFF086  }
0x25: {  	[simem:s6], [sflag:s4] =	dma.local [hbm:s3], $0xF7A  }
0x26: {  	[smem:$0x3F93] =	sst s1;
	(tag) =	ssettag s2;
	_ =	strace s9  }
0x27: {  	s1 =	sld [smem:$0x3FA3]  }
0x28: {  	s2 =	sld [smem:$0x3FA4]  }
0x29: {  	s4 =	sld [smem:$0x3FA6]  }
0x2a: {  	p0 =	seq.s32 s5, $0x0;
	s5 =	sld [smem:$0x3FA7]  }
0x2b: {  	s6 =	sld [smem:$0x3FA8]  }
0x2c: {  	s7 =	sld [smem:$0x3FA9]  }
0x2d: {  	s3 =	simm.s32 $0x108;
	s8 =	sld [smem:$0x3FAA]  }
0x2e: {  	s3 =	simm.s32 @!p0 $0x1082;
	s9 =	sld [smem:$0x3FAB]  }
0x2f: {  	lr =	sadd.s32 s0, s3;
	s0 =	sld [smem:$0x3FA2]  }
0x30: {  	s3 =	sld [smem:$0x3FA5]  }
0x31: {  	[smem:$0x3FAE] =	sst s10  }
0x32: {  	s10 =	sld [smem:$0x3FAC];
	_ =	sdelay $0x3  }
0x33: {  	p0 =	seq.s32 s10, $0x1;
	s10 =	sld [smem:$0x3FAE];
	_ =	sdelay $0x3  }
0x34: {  	[smem:$0x3FAE] =	sst s10  }
0x35: {  	s10 =	sld [smem:$0x3FAD];
	_ =	sdelay $0x3  }
0x36: {  	p1 =	seq.s32 s10, $0x1;
	s10 =	sld [smem:$0x3FAE];
	_ =	sdelay $0x3  }
0x37: {  	[smem:$0x3FAE] =	sst s10  }
0x38: {  	s10 =	sld [smem:$0x3FAF]  }
0x39: {  	_ = 	snop;
	(pc) =	sbr.ind lr, $3  }
0x3a: {  	_ = 	snop  }
0x3b: {  	_ = 	snop  }
0x3c: {  	p2 =	seq.s32 s10, $0x1;
	s10 =	sld [smem:$0x3FAE]  }
0x3d: {  	_ =	shalt  }
0x3e: {  	_ =	shalt  }
0x3f: {  	_ =	shalt  }
0x40: {  	_ =	shalt  }
0x41: {  	_ =	shalt  }
0x42: {  	_ =	shalt  }
0x43: {  	_ =	shalt  }
0x44: {  	_ =	shalt  }
0x45: {  	_ =	shalt  }
0x46: {  	_ =	shalt  }
0x47: {  	_ =	shalt  }
0x48: {  	_ =	shalt  }
0x49: {  	_ =	shalt  }
0x4a: {  	_ =	shalt  }
0x4b: {  	_ =	shalt  }
0x4c: {  	_ =	shalt  }
0x4d: {  	_ =	shalt  }
0x4e: {  	_ =	shalt  }
0x4f: {  	_ =	shalt  }
0x50: {  	_ =	shalt  }
0x51: {  	_ =	shalt  }
0x52: {  	_ =	shalt  }
0x53: {  	_ =	shalt  }
0x54: {  	_ =	shalt  }
0x55: {  	_ =	shalt  }
0x56: {  	_ =	shalt  }
0x57: {  	_ =	shalt  }
0x58: {  	_ =	shalt  }
0x59: {  	_ =	shalt  }
0x5a: {  	_ =	shalt  }
0x5b: {  	_ =	shalt  }
0x5c: {  	_ =	shalt  }
0x5d: {  	_ =	shalt  }
0x5e: {  	_ =	shalt  }
0x5f: {  	_ =	shalt  }
0x60: {  	_ =	shalt  }
0x61: {  	_ =	shalt  }
0x62: {  	_ =	shalt  }
0x63: {  	_ =	shalt  }
0x64: {  	_ =	shalt  }
0x65: {  	_ =	shalt  }
0x66: {  	_ =	shalt  }
0x67: {  	_ =	shalt  }
0x68: {  	_ =	shalt  }
0x69: {  	_ =	shalt  }
0x6a: {  	_ =	shalt  }
0x6b: {  	_ =	shalt  }
0x6c: {  	_ =	shalt  }
0x6d: {  	_ =	shalt  }
0x6e: {  	_ =	shalt  }
0x6f: {  	_ =	shalt  }
0x70: {  	_ =	shalt  }
0x71: {  	_ =	shalt  }
0x72: {  	_ =	shalt  }
0x73: {  	_ =	shalt  }
0x74: {  	_ =	shalt  }
0x75: {  	_ =	shalt  }
0x76: {  	_ =	shalt  }
0x77: {  	_ =	shalt  }
0x78: {  	_ =	shalt  }
0x79: {  	_ =	shalt  }
0x7a: {  	_ =	shalt  }
0x7b: {  	_ =	shalt  }
0x7c: {  	_ =	shalt  }
0x7d: {  	_ =	shalt  }
0x7e: {  	_ =	shalt  }
0x7f: {  	_ =	shalt  }
0x80: {  	_ =	shalt  }
0x81: {  	_ =	shalt  }
0x82: {  	_ =	shalt  }
0x83: {  	_ =	shalt  }
0x84: {  	_ =	shalt  }
0x85: {  	_ =	shalt  }
0x86: {  	_ =	shalt  }
0x87: {  	_ =	shalt  }
.Lfunc_end0:
.L_simem_size_0:
called_computation.1_lowered:
.L_overlay_start_0:
0x88: {  	s2 =	sld [smem:$0x3FD9]  }
0x89: {  	s3 =	sld [smem:$0x3FFE];
	_ =	sdelay $0x1  }
0x8a: {  	s1 =	srdreg.scid  }
0x8b: {  	s0 =	sand.u32 $0x1, s1  }
0x8c: {  	s14 =	sshll.u32 s0, $0xA;
	s2 =	sadd.s32 s3, s2  }
0x8d: {  	s2 =	sadd.s32 s2, s14  }
0x8e: {  	[smem:$0x3FBA] =	sst s2  }
0x8f: {  	_ = 	snop  }
0x90: {  	s2 =	sld [smem:$0x3FD0];
	_ =	sdelay $0x2  }
0x91: {  	s15 =	simm.s32 $0xA;
	s4 =	simm.s32 $0x10  }
0x92: {  	[smem:s4], [sflag:s15] =	dma.local [hbm:s2], $0x1  }
0x93: {  	_ =	swait.eq [sflag:s15], $0x1  }
0x94: {  	s16 =	sld [smem:$0x10];
	[sflag:s15] =	ssyncset.done $0x0  }
0x95: {  	s17 =	sld [smem:$0x11];
	[sflag:s15] =	ssyncadd.s32 $0xFFFFFFFF  }
0x96: {  	s18 =	sld [smem:$0x12];
	(tm) =	ssettm $0x1  }
0x97: {  	s5 =	sld [smem:$0x3FFB];
	_ =	sdelay $0x3  }
0x98: {  	_ =	strace s5  }
0x99: {  	s5 =	sld [smem:$0x3FFC];
	_ =	sdelay $0x3  }
0x9a: {  	_ =	strace s5  }
0x9b: {  	s5 =	sld [smem:$0x3FFD];
	_ =	sdelay $0x3  }
0x9c: {  	_ =	strace s5  }
0x9d: {  	_ =	strace $0x8FFFFFFF  }
0x9e: {  	s19 =	sld [smem:$0x3FDB];
	_ =	sdelay $0x1  }
0x9f: {  	s6 =	simm.s32 $_scs_section_size  }
0xa0: {  	s7 =	simm.s32 $_size__tile_overlayer_lowered;
	s8 =	simm.s32 $_tile_overlayer_lowered  }
0xa1: {  	s22 =	simm.s32 $0x1BFF;
	s21 =	sshll.u32 s8, $0x1;
	s5 =	sadd.s32 s6, s19  }
0xa2: {  	s9 =	simm.s32 $0x0;
	s20 =	sshll.u32 s7, $0x1;
	s7 =	sadd.s32 s21, s5  }
0xa3: {  	[timem:s9], [sflag:s22] =	dma.local [hbm:s7], s20  }
0xa4: {  	_ =	swait.ge [sflag:s22], s20  }
0xa5: {  	s6 =	ssub.s32 $0x0, s20;
	[sflag:s22] =	ssyncset.done $0x0  }
0xa6: {  	[sflag:s22] =	ssyncadd.s32 s6;
	_ =	sdelay $0x1  }
0xa7: {  	s23 =	simm.s32 $0x1B8B  }
0xa8: {  	_ =	swait.ge [sflag:s23], $0x1  }
0xa9: {  	[sflag:s23] =	ssyncset.done $0x0  }
0xaa: {  	s25 =	simm.s32 $0x1B8E;
	s24 =	sld [smem:$0x3FFE];
	[sflag:s23] =	ssyncadd.s32 $0xFFFFFFFF  }
0xab: {  	s26 =	simm.s32 $execute0_lowered;
	[smem:$0x3FD2] =	sst s25  }
0xac: {  	s7 =	sshll.u32 s26, $0x1;
	_ =	strace $0x80000049;
	[dreg:$0x1] =	wrdreg $0xFFFFFFFF  }
0xad: {  	s28 =	simm.s32 $_size_execute0_lowered;
	s5 =	sadd.s32 s5, s7;
	[dreg:$0x0] =	wrdreg $0x0  }
0xae: {  	s7 =	sshll.u32 s28, $0x1;
	[dreg:$0x2] =	wrdreg s5  }
0xaf: {  	[dreg:$0x3] =	wrdreg s7  }
0xb0: {  	[dreg:$0x4] =	wrdreg $0xC0  }
0xb1: {  	_ =	task [dreg:s9], $0x5FFFF  }
0xb2: {  	[dreg:$0x1] =	wrdreg $0xFFFFFFFF  }
0xb3: {  	[dreg:$0x0] =	wrdreg $0x60  }
0xb4: {  	[dreg:$0x2] =	wrdreg s24  }
0xb5: {  	[dreg:$0x3] =	wrdreg s18  }
0xb6: {  	[dreg:$0x4] =	wrdreg s17  }
0xb7: {  	[dreg:$0x5] =	wrdreg s16  }
0xb8: {  	[dreg:$0x6] =	wrdreg $0xA8000  }
0xb9: {  	[dreg:$0x7] =	wrdreg $0x9  }
0xba: {  	_ =	task.clear_ibuf [dreg:s9], $0x8FFFF;
	_ =	strace $0x90000049  }
0xbb: {  	s29 =	simm.s32 $0x9;
	_ =	strace $0x8000004B  }
0xbc: {  	_ =	swait.ge [sflag:s29], $0x1  }
0xbd: {  	[sflag:s29] =	ssyncadd.s32 $0xFFFFFFFF  }
0xbe: {  	_ =	strace $0x9000004B  }
0xbf: {  	_ =	sfence  }
0xc0: {  	s30 =	sld [smem:$0x0];
	_ =	sdelay $0x2  }
0xc1: {  	s31 =	sshll.u32 s1, $0xD;
	s1 =	sshrl.u32 s1, $0x2  }
0xc2: {  	s3 =	sand.u32 $0x4000, s31;
	s1 =	sadd.s32 s1, s30  }
0xc3: {  	s0 =	sor.u32 s3, s0;
	s1 =	sshll.u32 s1, $0x11  }
0xc4: {  	s0 =	sor.u32 s1, s0  }
0xc5: {  	s0 =	sadd.s32 $0x8F2B, s0  }
0xc6: {  	[sflag:s0] =	ssyncadd.remote.s32 $0x1  }
0xc7: {  	_ =	sfence.sel $0xFFFF  }
0xc8: {  	[dreg:$0x0] =	wrdreg $0xFFFFFFFF;
	(pc) =	sbr.abs _section_cstart, $3  }
0xc9: {  	[dreg:$0x1] =	wrdreg $0xFFFFFFFF  }
0xca: {  	_ =	task.clear_ibuf [dreg:s9], $0x2FFFF;
	_ =	strace $0x9FFFFFFF  }
0xcb: {  	(tm) =	ssettm $0x7FFFFFFF  }
tec
execute0_lowered:
.L_overlay_start_1:
0x0: {  	(tag) =	ssettag $0x1  }
0x1: {  	s5 =	rddreg [dreg:$0x0]  }
0x2: {  	s6 =	rddreg [dreg:$0x1]  }
0x3: {  	s7 =	rddreg [dreg:$0x2]  }
0x4: {  	s8 =	rddreg [dreg:$0x3]  }
0x5: {  	s0 =	stileid.u32;
	s1 =	srdreg.scid  }
0x6: {  	s2 =	rddreg [dreg:$0x4];
	s3 =	simm.s32 $0x0;
	s15 =	simm.s32 $0x2800  }
0x7: {  	s16 =	simm.s32 $0x6800;
	s17 =	simm.s32 $0x1;
	s18 =	simm.s32 $0x2  }
0x8: {  	s19 =	simm.s32 $0x2600;
	s20 =	simm.s32 $0x1300;
	s21 =	simm.s32 $0x2680  }
0x9: {  	s22 =	simm.s32 $0x1380;
	s23 =	simm.s32 $0x2700;
	s24 =	simm.s32 $0x2780  }
0xa: {  	s9 =	smul.u32 $0x13C00, s0;
	s10 =	sand.u32 $0x1, s1;
	s1 =	rddreg [dreg:$0x5]  }
0xb: {  	s25 =	simm.s32 $0x0;
	[smem:$0x7FF] =	sst s3;
	s13 =	smul.u32 $0x1400, s0  }
0xc: {  	s4 =	sadd.s32 $0x3E00, s5;
	s14 =	smul.u32 $0x4F000, s0;
	s31 =	sshll.u32 s0, $0x6  }
0xd: {  	s11 =	smul.u32 $0x14000, s10;
	_ =	strace $0x8000004A;
	s28 =	ssub.s32 $0x2, s10  }
0xe: {  	s10 =	smul.u32 $0x13C000, s10;
	s12 =	sshrl.u32 s9, $0x3;
	s29 =	sshrl.u32 s28, $0x1  }
0xf: {  	s30 =	sshrl.u32 s14, $0x2;
	s12 =	sadd.s32 s12, s5;
	s11 =	sadd.s32 s13, s11  }
0x10: {  	s13 =	ssub.s32 s28, s29;
	s9 =	sadd.s32 s9, s10;
	s14 =	sadd.s32 s30, s2  }
0x11: {  	s10 =	simm.s32 $0x3;
	s11 =	sshrl.u32 s11, $0x3;
	s9 =	sshrl.u32 s9, $0x3  }
0x12: {  	s5 =	sadd.s32 s6, s11;
	s6 =	sadd.s32 s7, s11;
	s7 =	sadd.s32 $0xB4400, s12  }
0x13: {  	s8 =	sadd.s32 s8, s9;
	s9 =	smax.u32 s13, $0x1;
	s11 =	simm.s32 $0x1400  }
0x14: {  	s12 =	sor.u32 $0x1C03, s31;
	s13 =	sshrl.u32 s14, $0x3;
	s14 =	simm.s32 $0x80  }
.LBB2_1:
0x15: {  	[tilespmem:s3], [sflag:$0x3] =	stream.linear.gather [hbm4b:s5+s3], $0x1400, $0x38;
	[tilespmem:$0x1E400] =	vst v63  }
0x16: {  	_ =	swait.ge [sflag:s10], $0x1400  }
0x17: {  	[sflag:s10] =	ssyncset.done $0x0  }
0x18: {  	[sflag:s10] =	ssyncadd.s32 $0xFFFFEC00  }
0x19: {  	[tilespmem:s11], [sflag:$0x3] =	stream.linear.gather [hbm4b:s6+s3], $0x1400, $0x38;
	[tilespmem:$0x1E400] =	vst v63  }
0x1a: {  	_ =	swait.ge [sflag:s10], $0x1400  }
0x1b: {  	[sflag:s10] =	ssyncset.done $0x0  }
0x1c: {  	[sflag:s10] =	ssyncadd.s32 $0xFFFFEC00  }
0x1d: {  	[spmem:s13], [sflag:s12] =	dma.local [hbm:s7], $0x2780  }
0x1e: {  	_ =	swait.ge [sflag:s10], $0x2780  }
0x1f: {  	[sflag:s10] =	ssyncset.done $0x0  }
0x20: {  	[sflag:s10] =	ssyncadd.s32 $0xFFFFD880  }
0x21: {  	[bflag:$0x0] =	sbarrier.arrive $0xFFFF  }
0x22: {  	[tilespmem:s15], [sflag:$0x1] =	stream.indirect.gather [hbm4b:s4+s14], $0x80, s3, s14, $0xb8;
	[tilespmem:$0x1E400] =	vst v63  }
0x23: {  	_ = 	snop  }
0x24: {  	[tilespmem:s16], [sflag:$0x2] =	stream.indirect.gather [hbm4b:s4+s14], $0x80, s14, s14, $0xb8;
	[tilespmem:$0x1E400] =	vst v63  }
0x25: {  	_ =	swait.ge [sflag:s17], $0x4000  }
0x26: {  	[sflag:s17] =	ssyncset.done $0x0  }
0x27: {  	s26 =	simm.s32 $0x1400;
	[sflag:s17] =	ssyncadd.s32 $0xFFFFC000  }
0x28: {  	[spmem:s2] =	stream.indirect.scatter.add.f32 [tilespmem:s15], [sflag:$0x3], $0x80, s26, s14, $0xb8;
	[tilespmem:$0x1E400] =	vst v63  }
0x29: {  	_ =	swait.ge [sflag:s10], $0x4000  }
0x2a: {  	[sflag:s10] =	ssyncset.done $0x0  }
0x2b: {  	s30 =	simm.s32 $0x100;
	[sflag:s10] =	ssyncadd.s32 $0xFFFFC000  }
0x2c: {  	[tilespmem:s15], [sflag:$0x1] =	stream.indirect.gather [hbm4b:s4+s14], $0x80, s30, s14, $0xb8;
	[tilespmem:$0x1E400] =	vst v63  }
0x2d: {  	_ =	swait.ge [sflag:s18], $0x4000  }
0x2e: {  	[sflag:s18] =	ssyncset.done $0x0  }
0x2f: {  	s31 =	simm.s32 $0x1480;
	[sflag:s18] =	ssyncadd.s32 $0xFFFFC000  }
0x30: {  	[spmem:s2] =	stream.indirect.scatter.add.f32 [tilespmem:s16], [sflag:$0x3], $0x80, s31, s14, $0xb8;
	[tilespmem:$0x1E400] =	vst v63  }
0x31: {  	_ =	swait.ge [sflag:s10], $0x4000  }
0x32: {  	[sflag:s10] =	ssyncset.done $0x0  }
0x33: {  	s28 =	simm.s32 $0x180;
	s26 =	simm.s32 $0x400;
	[sflag:s10] =	ssyncadd.s32 $0xFFFFC000  }
.LBB2_2:
0x34: {  	[tilespmem:s16], [sflag:$0x2] =	stream.indirect.gather [hbm4b:s4+s14], $0x80, s28, s14, $0xb8;
	[tilespmem:$0x1E400] =	vst v63  }
0x35: {  	s28 =	smov.u32 s26  }
0x36: {  	p0 =	sne.s32 s26, $0x4400;
	s26 =	sadd.s32 $0x400, s26;
	_ =	swait.ge [sflag:s17], $0x4000  }
0x37: {  	s28 =	sshra.s32 s28, $0x2;
	[sflag:s17] =	ssyncset.done $0x0  }
0x38: {  	s29 =	sadd.s32 $0x1400, s28;
	[sflag:s17] =	ssyncadd.s32 $0xFFFFC000  }
0x39: {  	[spmem:s2] =	stream.indirect.scatter.add.f32 [tilespmem:s15], [sflag:$0x3], $0x80, s29, s14, $0xb8;
	[tilespmem:$0x1E400] =	vst v63  }
0x3a: {  	_ =	swait.ge [sflag:s10], $0x4000  }
0x3b: {  	[sflag:s10] =	ssyncset.done $0x0  }
0x3c: {  	s29 =	sadd.s32 $0x100, s28;
	[sflag:s10] =	ssyncadd.s32 $0xFFFFC000  }
0x3d: {  	[tilespmem:s15], [sflag:$0x1] =	stream.indirect.gather [hbm4b:s4+s14], $0x80, s29, s14, $0xb8;
	[tilespmem:$0x1E400] =	vst v63  }
0x3e: {  	_ =	swait.ge [sflag:s18], $0x4000  }
0x3f: {  	[sflag:s18] =	ssyncset.done $0x0  }
.Ltmp0:
0x40: {  	s29 =	sadd.s32 $0x1480, s28;
	[sflag:s18] =	ssyncadd.s32 $0xFFFFC000;
	(pc) =	sbr.rel @p0 .LBB2_2-.Ltmp0, $4  }
0x41: {  	[spmem:s2] =	stream.indirect.scatter.add.f32 [tilespmem:s16], [sflag:$0x3], $0x80, s29, s14, $0xb8;
	[tilespmem:$0x1E400] =	vst v63  }
0x42: {  	_ =	swait.ge [sflag:s10], $0x4000  }
0x43: {  	[sflag:s10] =	ssyncset.done $0x0  }
0x44: {  	s28 =	sadd.s32 $0x180, s28;
	[sflag:s10] =	ssyncadd.s32 $0xFFFFC000  }
0x45: {  	[tilespmem:s16], [sflag:$0x2] =	stream.indirect.gather [hbm4b:s4+s14], $0x80, s28, s14, $0xb8;
	[tilespmem:$0x1E400] =	vst v63  }
0x46: {  	_ =	swait.ge [sflag:s17], $0x4000  }
0x47: {  	[sflag:s17] =	ssyncset.done $0x0  }
0x48: {  	[sflag:s17] =	ssyncadd.s32 $0xFFFFC000  }
0x49: {  	[spmem:s2] =	stream.indirect.scatter.add.f32 [tilespmem:s15], [sflag:$0x3], $0x80, s19, s14, $0xb8;
	[tilespmem:$0x1E400] =	vst v63  }
0x4a: {  	_ =	swait.ge [sflag:s10], $0x4000  }
0x4b: {  	[sflag:s10] =	ssyncset.done $0x0  }
0x4c: {  	[sflag:s10] =	ssyncadd.s32 $0xFFFFC000  }
0x4d: {  	[tilespmem:s15], [sflag:$0x1] =	stream.indirect.gather [hbm4b:s4+s14], $0x80, s20, s14, $0xb8;
	[tilespmem:$0x1E400] =	vst v63  }
0x4e: {  	_ =	swait.ge [sflag:s18], $0x4000  }
0x4f: {  	[sflag:s18] =	ssyncset.done $0x0  }
0x50: {  	[sflag:s18] =	ssyncadd.s32 $0xFFFFC000  }
0x51: {  	[spmem:s2] =	stream.indirect.scatter.add.f32 [tilespmem:s16], [sflag:$0x3], $0x80, s21, s14, $0xb8;
	[tilespmem:$0x1E400] =	vst v63  }
0x52: {  	_ =	swait.ge [sflag:s10], $0x4000  }
0x53: {  	[sflag:s10] =	ssyncset.done $0x0  }
0x54: {  	[sflag:s10] =	ssyncadd.s32 $0xFFFFC000  }
0x55: {  	[tilespmem:s16], [sflag:$0x2] =	stream.indirect.gather [hbm4b:s4+s14], $0x80, s22, s14, $0xb8;
	[tilespmem:$0x1E400] =	vst v63  }
0x56: {  	_ =	swait.ge [sflag:s17], $0x4000  }
0x57: {  	[sflag:s17] =	ssyncset.done $0x0  }
0x58: {  	[sflag:s17] =	ssyncadd.s32 $0xFFFFC000  }
0x59: {  	[spmem:s2] =	stream.indirect.scatter.add.f32 [tilespmem:s15], [sflag:$0x3], $0x80, s23, s14, $0xb8;
	[tilespmem:$0x1E400] =	vst v63  }
0x5a: {  	_ =	swait.ge [sflag:s10], $0x4000  }
0x5b: {  	[sflag:s10] =	ssyncset.done $0x0  }
0x5c: {  	[sflag:s10] =	ssyncadd.s32 $0xFFFFC000  }
0x5d: {  	[tilespmem:s15], [sflag:$0x1] =	stream.indirect.gather [hbm4b:s4+s14], $0x80, s22, s14, $0xb8;
	[tilespmem:$0x1E400] =	vst v63  }
0x5e: {  	_ =	swait.ge [sflag:s18], $0x4000  }
0x5f: {  	[sflag:s18] =	ssyncset.done $0x0  }
0x60: {  	[sflag:s18] =	ssyncadd.s32 $0xFFFFC000  }
0x61: {  	[spmem:s2] =	stream.indirect.scatter.add.f32 [tilespmem:s16], [sflag:$0x3], $0x80, s24, s14, $0xb8;
	[tilespmem:$0x1E400] =	vst v63  }
0x62: {  	_ =	swait.ge [sflag:s10], $0x4000  }
0x63: {  	[sflag:s10] =	ssyncset.done $0x0  }
0x64: {  	[sflag:s10] =	ssyncadd.s32 $0xFFFFC000  }
0x65: {  	[tilespmem:s16], [sflag:$0x2] =	stream.indirect.gather [hbm4b:s4+s14], $0x80, s22, s14, $0xb8;
	[tilespmem:$0x1E400] =	vst v63  }
0x66: {  	_ =	swait.ge [sflag:s17], $0x4000  }
0x67: {  	[sflag:s17] =	ssyncset.done $0x0  }
0x68: {  	[sflag:s17] =	ssyncadd.s32 $0xFFFFC000  }
0x69: {  	_ =	swait.ge [sflag:s18], $0x4000  }
0x6a: {  	s25 =	sadd.s32 $0x1, s25;
	[sflag:s18] =	ssyncset.done $0x0  }
0x6b: {  	p0 =	sne.s32 s25, s9;
	[sflag:s18] =	ssyncadd.s32 $0xFFFFC000  }
.Ltmp1:
0x6c: {  	[bflag:$0x0] =	sbarrier.arrive $0xFFFF;
	(pc) =	sbr.rel @p0 .LBB2_1-.Ltmp1, $4  }
0x6d: {  	[hbm:s8], [sflag:s12] =	dma.local [spmem:s13], $0x2780  }
0x6e: {  	_ =	swait.ge [sflag:s10], $0x2780  }
0x6f: {  	[sflag:s10] =	ssyncset.done $0x0  }
0x70: {  	[sflag:s10] =	ssyncadd.s32 $0xFFFFD880  }
0x71: {  	_ =	sfence.sel $0x180000  }
0x72: {  	[bflag:$0x0] =	sbarrier.arrive $0xFFFF  }
0x73: {  	p0 =	sne.s32 s0, $0x0;
	_ =	strace $0x9000004A  }
0x74: {  	s0 =	sadd.s32 @!p0 $0x100000, s1;
	[bflag:$0x2] =	sbarrier.arrive $0xFFFF  }
0x75: {  	[sflag:s0] =	ssyncadd.tile.s32 @!p0 $0x1;
	_ =	shalt  }
.Lfunc_end2:
_tile_overlayer_lowered:
.L_overlay_start_2:
0x76: {  	(tag) =	ssettag $0x2  }
0x77: {  	s0 =	rddreg [dreg:$0x0];
	s2 =	stileid.u32  }
0x78: {  	s1 =	rddreg [dreg:$0x1];
	p0 =	sne.s32 s2, $0x0  }
0x79: {  	s3 =	rddreg [dreg:$0x2];
	[bflag:$0x3] =	sbarrier.arrive $0xFFFF;
	s2 =	simm.s32 @!p0 $0x1C03  }
0x7a: {  	[timem:s3], [sflag:s2] =	dma.local @!p0 [hbm:s0], s1  }
0x7b: {  	s0 =	simm.s32 @!p0 $0x3  }
0x7c: {  	_ =	swait.ge @!p0 [sflag:s0], s1  }
0x7d: {  	s1 =	ssub.s32 @!p0 $0x0, s1;
	[sflag:s0] =	ssyncset.done @!p0 $0x0  }
0x7e: {  	[sflag:s0] =	ssyncadd.s32 @!p0 s1  }
0x7f: {  	[bflag:$0x3] =	sbarrier.arrive $0xFFFF  }
0x80: {  	_ =	shalt  }

// kernel: kernel.7.cloned.1.call-start
scs
__scs_entry_jumppad:
0x0: {  	(pc) =	sbr.rel $0x88, $3  }
0x1: {  	(tag) =	ssettag $0x0;
	lr =	simm.s32 $0x1  }
0x2: {  	[smem:$0x3F93] =	sst lr;
	_ =	strace $0xD0000000  }
0x3: {  	_ = 	snop  }
0x4: {  	_ = 	snop  }
0x5: {  	_ = 	snop  }
0x6: {  	_ = 	snop  }
0x7: {  	_ = 	snop  }
__scs_overlays_trampoline_lowered:
0x8: {  	[smem:$0x3FA2] =	sst s0  }
0x9: {  	[smem:$0x3FA3] =	sst s1  }
0xa: {  	[smem:$0x3FA4] =	sst s2  }
0xb: {  	[smem:$0x3FA5] =	sst s3  }
0xc: {  	[smem:$0x3FA6] =	sst s4  }
0xd: {  	[smem:$0x3FA7] =	sst s5  }
0xe: {  	[smem:$0x3FA8] =	sst s6  }
0xf: {  	[smem:$0x3FA9] =	sst s7  }
0x10: {  	[smem:$0x3FAA] =	sst s8  }
0x11: {  	[smem:$0x3FAB] =	sst s9;
	s0 =	simm.s32 @!p0 $0x0  }
0x12: {  	s1 =	sld [smem:$0x3F91];
	s0 =	simm.s32 @p0 $0x1  }
0x13: {  	[smem:$0x3FAC] =	sst s0;
	s0 =	simm.s32 @!p1 $0x0  }
0x14: {  	s2 =	sld [smem:$0x3F90];
	s0 =	simm.s32 @p1 $0x1  }
0x15: {  	[smem:$0x3FAD] =	sst s0;
	s0 =	simm.s32 @!p2 $0x0  }
0x16: {  	s3 =	sld [smem:$0x3FDB];
	s0 =	simm.s32 @p2 $0x1  }
0x17: {  	s4 =	simm.s32 $0x1BF5;
	[smem:$0x3FAF] =	sst s0  }
0x18: {  	s0 =	sld [smem:$0x3F92];
	_ =	swait.ge [sflag:s4], $0x0  }
0x19: {  	s7 =	sld [smem:$0x3F93]  }
0x1a: {  	s8 =	sadd.s32 $0xFFFFE003, lr  }
0x1b: {  	s9 =	sadd.s32 $0xFFFFFEF7, lr;
	s5 =	simm.s32 $0xFFFFFFFF;
	p2 =	slt.u32 s8, $0xFFFFF086  }
0x1c: {  	p1 =	slt.u32 s9, $0xF7A;
	s5 =	simm.s32 @!p2 $0x0  }
0x1d: {  	s5 =	simm.s32 @p1 $0x1;
	p0 =	seq.s32 s7, s2  }
0x1e: {  	s7 =	smul.u32 @!p0 $0xF7A, s2;
	p2 =	seq.s32 @!p0 s5, $0x0  }
0x1f: {  	s9 =	smul.u32 $0xF7A, s1;
	s8 =	simm.s32 @!p0 $0x1BF5;
	p2 =	por !p2, p0  }
0x20: {  	[sflag:s8] =	ssyncset.s32 @!p0 $0xFFFFF086;
	s6 =	sadd.s32 @!p0 s3, s7;
	s7 =	simm.s32 @!p0 $0x108  }
0x21: {  	s3 =	sadd.s32 s3, s9;
	s6 =	sadd.s32 @!p0 $0x88, s6;
	s7 =	simm.s32 @p2 $0x1082  }
0x22: {  	[simem:s7], [sflag:s8] =	dma.local @!p0 [hbm:s6], $0xF7A  }
0x23: {  	s9 =	sor.u32 $0xD0000000, s2;
	s6 =	simm.s32 $0x108;
	_ =	swait.ge @!p0 [sflag:s8], $0x0  }
0x24: {  	s3 =	sadd.s32 $0x88, s3;
	s6 =	simm.s32 @!p1 $0x1082;
	[sflag:s4] =	ssyncset.s32 $0xFFFFF086  }
0x25: {  	[simem:s6], [sflag:s4] =	dma.local [hbm:s3], $0xF7A  }
0x26: {  	[smem:$0x3F93] =	sst s1;
	(tag) =	ssettag s2;
	_ =	strace s9  }
0x27: {  	s1 =	sld [smem:$0x3FA3]  }
0x28: {  	s2 =	sld [smem:$0x3FA4]  }
0x29: {  	s4 =	sld [smem:$0x3FA6]  }
0x2a: {  	p0 =	seq.s32 s5, $0x0;
	s5 =	sld [smem:$0x3FA7]  }
0x2b: {  	s6 =	sld [smem:$0x3FA8]  }
0x2c: {  	s7 =	sld [smem:$0x3FA9]  }
0x2d: {  	s3 =	simm.s32 $0x108;
	s8 =	sld [smem:$0x3FAA]  }
0x2e: {  	s3 =	simm.s32 @!p0 $0x1082;
	s9 =	sld [smem:$0x3FAB]  }
0x2f: {  	lr =	sadd.s32 s0, s3;
	s0 =	sld [smem:$0x3FA2]  }
0x30: {  	s3 =	sld [smem:$0x3FA5]  }
0x31: {  	[smem:$0x3FAE] =	sst s10  }
0x32: {  	s10 =	sld [smem:$0x3FAC];
	_ =	sdelay $0x3  }
0x33: {  	p0 =	seq.s32 s10, $0x1;
	s10 =	sld [smem:$0x3FAE];
	_ =	sdelay $0x3  }
0x34: {  	[smem:$0x3FAE] =	sst s10  }
0x35: {  	s10 =	sld [smem:$0x3FAD];
	_ =	sdelay $0x3  }
0x36: {  	p1 =	seq.s32 s10, $0x1;
	s10 =	sld [smem:$0x3FAE];
	_ =	sdelay $0x3  }
0x37: {  	[smem:$0x3FAE] =	sst s10  }
0x38: {  	s10 =	sld [smem:$0x3FAF]  }
0x39: {  	_ = 	snop;
	(pc) =	sbr.ind lr, $3  }
0x3a: {  	_ = 	snop  }
0x3b: {  	_ = 	snop  }
0x3c: {  	p2 =	seq.s32 s10, $0x1;
	s10 =	sld [smem:$0x3FAE]  }
0x3d: {  	_ =	shalt  }
0x3e: {  	_ =	shalt  }
0x3f: {  	_ =	shalt  }
0x40: {  	_ =	shalt  }
0x41: {  	_ =	shalt  }
0x42: {  	_ =	shalt  }
0x43: {  	_ =	shalt  }
0x44: {  	_ =	shalt  }
0x45: {  	_ =	shalt  }
0x46: {  	_ =	shalt  }
0x47: {  	_ =	shalt  }
0x48: {  	_ =	shalt  }
0x49: {  	_ =	shalt  }
0x4a: {  	_ =	shalt  }
0x4b: {  	_ =	shalt  }
0x4c: {  	_ =	shalt  }
0x4d: {  	_ =	shalt  }
0x4e: {  	_ =	shalt  }
0x4f: {  	_ =	shalt  }
0x50: {  	_ =	shalt  }
0x51: {  	_ =	shalt  }
0x52: {  	_ =	shalt  }
0x53: {  	_ =	shalt  }
0x54: {  	_ =	shalt  }
0x55: {  	_ =	shalt  }
0x56: {  	_ =	shalt  }
0x57: {  	_ =	shalt  }
0x58: {  	_ =	shalt  }
0x59: {  	_ =	shalt  }
0x5a: {  	_ =	shalt  }
0x5b: {  	_ =	shalt  }
0x5c: {  	_ =	shalt  }
0x5d: {  	_ =	shalt  }
0x5e: {  	_ =	shalt  }
0x5f: {  	_ =	shalt  }
0x60: {  	_ =	shalt  }
0x61: {  	_ =	shalt  }
0x62: {  	_ =	shalt  }
0x63: {  	_ =	shalt  }
0x64: {  	_ =	shalt  }
0x65: {  	_ =	shalt  }
0x66: {  	_ =	shalt  }
0x67: {  	_ =	shalt  }
0x68: {  	_ =	shalt  }
0x69: {  	_ =	shalt  }
0x6a: {  	_ =	shalt  }
0x6b: {  	_ =	shalt  }
0x6c: {  	_ =	shalt  }
0x6d: {  	_ =	shalt  }
0x6e: {  	_ =	shalt  }
0x6f: {  	_ =	shalt  }
0x70: {  	_ =	shalt  }
0x71: {  	_ =	shalt  }
0x72: {  	_ =	shalt  }
0x73: {  	_ =	shalt  }
0x74: {  	_ =	shalt  }
0x75: {  	_ =	shalt  }
0x76: {  	_ =	shalt  }
0x77: {  	_ =	shalt  }
0x78: {  	_ =	shalt  }
0x79: {  	_ =	shalt  }
0x7a: {  	_ =	shalt  }
0x7b: {  	_ =	shalt  }
0x7c: {  	_ =	shalt  }
0x7d: {  	_ =	shalt  }
0x7e: {  	_ =	shalt  }
0x7f: {  	_ =	shalt  }
0x80: {  	_ =	shalt  }
0x81: {  	_ =	shalt  }
0x82: {  	_ =	shalt  }
0x83: {  	_ =	shalt  }
0x84: {  	_ =	shalt  }
0x85: {  	_ =	shalt  }
0x86: {  	_ =	shalt  }
0x87: {  	_ =	shalt  }
.Lfunc_end0:
.L_simem_size_0:
called_computation_lowered:
.L_overlay_start_0:
0x88: {  	s2 =	sld [smem:$0x3FD9]  }
0x89: {  	s3 =	sld [smem:$0x3FFE];
	_ =	sdelay $0x1  }
0x8a: {  	s1 =	srdreg.scid  }
0x8b: {  	s0 =	sand.u32 $0x1, s1  }
0x8c: {  	s14 =	sshll.u32 s0, $0xA;
	s2 =	sadd.s32 s3, s2  }
0x8d: {  	s2 =	sadd.s32 s2, s14  }
0x8e: {  	[smem:$0x3FBA] =	sst s2  }
0x8f: {  	_ = 	snop  }
0x90: {  	s2 =	sld [smem:$0x3FD0];
	_ =	sdelay $0x2  }
0x91: {  	s15 =	simm.s32 $0xA;
	s4 =	simm.s32 $0x10  }
0x92: {  	[smem:s4], [sflag:s15] =	dma.local [hbm:s2], $0x1  }
0x93: {  	_ =	swait.eq [sflag:s15], $0x1  }
0x94: {  	[sflag:s15] =	ssyncset.done $0x0  }
0x95: {  	[sflag:s15] =	ssyncadd.s32 $0xFFFFFFFF  }
0x96: {  	s16 =	sld [smem:$0x10];
	(tm) =	ssettm $0x1  }
0x97: {  	s17 =	sld [smem:$0x3FFB];
	_ =	sdelay $0x3  }
0x98: {  	_ =	strace s17  }
0x99: {  	s3 =	sld [smem:$0x3FFC];
	_ =	sdelay $0x3  }
0x9a: {  	_ =	strace s3  }
0x9b: {  	s3 =	sld [smem:$0x3FFD];
	_ =	sdelay $0x3  }
0x9c: {  	_ =	strace s3  }
0x9d: {  	_ =	strace $0x8FFFFFFF  }
0x9e: {  	s18 =	sld [smem:$0x3FDB];
	_ =	sdelay $0x1  }
0x9f: {  	s19 =	simm.s32 $_scs_section_size  }
0xa0: {  	s5 =	simm.s32 $_size__tile_overlayer_lowered;
	s6 =	simm.s32 $_tile_overlayer_lowered  }
0xa1: {  	s22 =	simm.s32 $0x1BFF;
	s21 =	sshll.u32 s6, $0x1;
	s3 =	sadd.s32 s19, s18  }
0xa2: {  	s7 =	simm.s32 $0x0;
	s20 =	sshll.u32 s5, $0x1;
	s5 =	sadd.s32 s21, s3  }
0xa3: {  	[timem:s7], [sflag:s22] =	dma.local [hbm:s5], s20  }
0xa4: {  	_ =	swait.ge [sflag:s22], s20  }
0xa5: {  	s4 =	ssub.s32 $0x0, s20;
	[sflag:s22] =	ssyncset.done $0x0  }
0xa6: {  	[sflag:s22] =	ssyncadd.s32 s4;
	_ =	sdelay $0x1  }
0xa7: {  	s23 =	simm.s32 $0x1B8B  }
0xa8: {  	_ =	swait.ge [sflag:s23], $0x1  }
0xa9: {  	[sflag:s23] =	ssyncset.done $0x0  }
0xaa: {  	s25 =	simm.s32 $0x1B8E;
	s24 =	sld [smem:$0x3FFE];
	[sflag:s23] =	ssyncadd.s32 $0xFFFFFFFF  }
0xab: {  	s26 =	simm.s32 $execute0_lowered;
	[smem:$0x3FD2] =	sst s25  }
0xac: {  	s5 =	sshll.u32 s26, $0x1;
	_ =	strace $0x80000046;
	[dreg:$0x1] =	wrdreg $0xFFFFFFFF  }
0xad: {  	s28 =	simm.s32 $_size_execute0_lowered;
	s3 =	sadd.s32 s3, s5;
	[dreg:$0x0] =	wrdreg $0x0  }
0xae: {  	s5 =	sshll.u32 s28, $0x1;
	[dreg:$0x2] =	wrdreg s3  }
0xaf: {  	[dreg:$0x3] =	wrdreg s5  }
0xb0: {  	[dreg:$0x4] =	wrdreg $0xC0  }
0xb1: {  	_ =	task [dreg:s7], $0x5FFFF  }
0xb2: {  	[dreg:$0x1] =	wrdreg $0xFFFFFFFF  }
0xb3: {  	[dreg:$0x0] =	wrdreg $0x60  }
0xb4: {  	[dreg:$0x2] =	wrdreg s24  }
0xb5: {  	[dreg:$0x3] =	wrdreg s16  }
0xb6: {  	[dreg:$0x4] =	wrdreg $0x90000  }
0xb7: {  	[dreg:$0x5] =	wrdreg $0x9  }
0xb8: {  	_ =	task.clear_ibuf [dreg:s7], $0x6FFFF;
	_ =	strace $0x90000046  }
0xb9: {  	s29 =	simm.s32 $0x9;
	_ =	strace $0x80000048  }
0xba: {  	_ =	swait.ge [sflag:s29], $0x1  }
0xbb: {  	[sflag:s29] =	ssyncadd.s32 $0xFFFFFFFF  }
0xbc: {  	_ =	strace $0x90000048  }
0xbd: {  	_ =	sfence  }
0xbe: {  	s30 =	sld [smem:$0x0];
	_ =	sdelay $0x2  }
0xbf: {  	s31 =	sshll.u32 s1, $0xD;
	s1 =	sshrl.u32 s1, $0x2  }
0xc0: {  	s3 =	sand.u32 $0x4000, s31;
	s1 =	sadd.s32 s1, s30  }
0xc1: {  	s0 =	sor.u32 s3, s0;
	s1 =	sshll.u32 s1, $0x11  }
0xc2: {  	s0 =	sor.u32 s1, s0  }
0xc3: {  	s0 =	sadd.s32 $0x8F2B, s0  }
0xc4: {  	[sflag:s0] =	ssyncadd.remote.s32 $0x1  }
0xc5: {  	_ =	sfence.sel $0xFFFF  }
0xc6: {  	[dreg:$0x0] =	wrdreg $0xFFFFFFFF;
	(pc) =	sbr.abs _section_cstart, $3  }
0xc7: {  	[dreg:$0x1] =	wrdreg $0xFFFFFFFF  }
0xc8: {  	_ =	task.clear_ibuf [dreg:s7], $0x2FFFF;
	_ =	strace $0x9FFFFFFF  }
0xc9: {  	(tm) =	ssettm $0x7FFFFFFF  }
tec
execute0_lowered:
.L_overlay_start_1:
0x0: {  	(tag) =	ssettag $0x1  }
0x1: {  	s5 =	rddreg [dreg:$0x0]  }
0x2: {  	s8 =	rddreg [dreg:$0x1]  }
0x3: {  	s1 =	rddreg [dreg:$0x2];
	s2 =	srdreg.scid  }
0x4: {  	s0 =	rddreg [dreg:$0x3];
	s6 =	sand.u32 $0x1, s2  }
0x5: {  	s3 =	simm.s32 $0x0;
	s2 =	stileid.u32;
	s7 =	smul.u32 $0x28000, s6  }
0x6: {  	s14 =	simm.s32 $0x80;
	s15 =	simm.s32 $0x5000;
	s9 =	smul.u32 $0x2800, s2  }
0x7: {  	s16 =	simm.s32 $0x1;
	s17 =	simm.s32 $0x0;
	s29 =	smul.u32 $0x13C00, s2  }
0x8: {  	[smem:$0x7FF] =	sst s3;
	s4 =	sadd.s32 $0x66000, s5;
	s11 =	smul.u32 $0x4F000, s2  }
0x9: {  	_ =	strace $0x80000047;
	s10 =	ssub.s32 $0x2, s6;
	s6 =	smul.u32 $0x13C000, s6  }
0xa: {  	s31 =	sshll.u32 s2, $0x6;
	s13 =	sshrl.u32 s10, $0x1;
	s7 =	sadd.s32 s9, s7  }
0xb: {  	s12 =	sshrl.u32 s29, $0x3;
	s10 =	ssub.s32 s10, s13;
	s11 =	sshrl.u32 s11, $0x2  }
0xc: {  	s9 =	sadd.s32 s29, s6;
	s7 =	sshrl.u32 s7, $0x3;
	s12 =	sadd.s32 s12, s5  }
0xd: {  	s30 =	sadd.s32 s11, s1;
	s9 =	sshrl.u32 s9, $0x3;
	s11 =	simm.s32 $0x2800  }
0xe: {  	s7 =	sadd.s32 s7, s5;
	s8 =	sadd.s32 s8, s9;
	s9 =	smax.u32 s10, $0x1  }
0xf: {  	s10 =	simm.s32 $0x2;
	s13 =	sshrl.u32 s30, $0x3;
	s5 =	sadd.s32 $0x3E00, s7  }
0x10: {  	s6 =	sadd.s32 $0xDE00, s7;
	s7 =	sadd.s32 $0xB4400, s12;
	s12 =	sor.u32 $0x1C02, s31  }
.LBB2_1:
0x11: {  	[tilespmem:s3], [sflag:$0x2] =	stream.linear.gather [hbm4b:s5+s3], $0x2780, $0x38;
	[tilespmem:$0x1CC00] =	vst v63  }
0x12: {  	_ =	swait.ge [sflag:s10], $0x2780  }
0x13: {  	[sflag:s10] =	ssyncset.done $0x0  }
0x14: {  	[sflag:s10] =	ssyncadd.s32 $0xFFFFD880  }
0x15: {  	[tilespmem:s11], [sflag:$0x2] =	stream.linear.gather [hbm4b:s6+s3], $0x2780, $0x38;
	[tilespmem:$0x1CC00] =	vst v63  }
0x16: {  	_ =	swait.ge [sflag:s10], $0x2780  }
0x17: {  	[sflag:s10] =	ssyncset.done $0x0  }
0x18: {  	[sflag:s10] =	ssyncadd.s32 $0xFFFFD880  }
0x19: {  	[spmem:s13], [sflag:s12] =	dma.local [hbm:s7], $0x2780  }
0x1a: {  	_ =	swait.ge [sflag:s10], $0x2780  }
0x1b: {  	[sflag:s10] =	ssyncset.done $0x0  }
0x1c: {  	[sflag:s10] =	ssyncadd.s32 $0xFFFFD880  }
0x1d: {  	s18 =	simm.s32 $0x0;
	[bflag:$0x0] =	sbarrier.arrive $0xFFFF  }
0x1e: {  	[tilespmem:s15], [sflag:$0x1] =	stream.indirect.gather [hbm4b:s4+s14], $0x80, s18, s14, $0xb8;
	[tilespmem:$0x1CC00] =	vst v63  }
0x1f: {  	_ =	swait.ge [sflag:s16], $0x4000  }
0x20: {  	[sflag:s16] =	ssyncset.done $0x0  }
0x21: {  	s31 =	simm.s32 $0x2800;
	[sflag:s16] =	ssyncadd.s32 $0xFFFFC000  }
0x22: {  	[spmem:s1] =	stream.indirect.scatter.add.f32 [tilespmem:s15], [sflag:$0x2], $0x80, s31, s14, $0xb8;
	[tilespmem:$0x1CC00] =	vst v63  }
0x23: {  	_ =	swait.ge [sflag:s10], $0x4000  }
0x24: {  	s19 =	simm.s32 $0x400;
	s18 =	simm.s32 $0x200;
	[sflag:s10] =	ssyncset.done $0x0  }
.LBB2_2:
0x25: {  	s20 =	sshra.s32 s18, $0x2  }
0x26: {  	[sflag:s10] =	ssyncadd.s32 $0xFFFFC000;
	s18 =	smov.u32 s19;
	s21 =	sadd.s32 $0x200, s19  }
0x27: {  	[tilespmem:s15], [sflag:$0x1] =	stream.indirect.gather [hbm4b:s4+s14], $0x80, s20, s14, $0xb8;
	[tilespmem:$0x1CC00] =	vst v63  }
0x28: {  	p0 =	sne.s32 s19, $0x9C00;
	_ =	swait.ge [sflag:s16], $0x4000  }
.Ltmp0:
0x29: {  	[sflag:s16] =	ssyncset.done $0x0;
	(pc) =	sbr.rel @p0 .LBB2_2-.Ltmp0, $4  }
0x2a: {  	s19 =	sadd.s32 $0x2800, s20;
	[sflag:s16] =	ssyncadd.s32 $0xFFFFC000  }
0x2b: {  	[spmem:s1] =	stream.indirect.scatter.add.f32 [tilespmem:s15], [sflag:$0x2], $0x80, s19, s14, $0xb8;
	[tilespmem:$0x1CC00] =	vst v63  }
0x2c: {  	_ =	swait.ge [sflag:s10], $0x4000  }
0x2d: {  	s19 =	smov.u32 s21;
	[sflag:s10] =	ssyncset.done $0x0  }
0x2e: {  	s18 =	sshra.s32 s18, $0x2;
	[sflag:s10] =	ssyncadd.s32 $0xFFFFC000  }
0x2f: {  	[tilespmem:s15], [sflag:$0x1] =	stream.indirect.gather [hbm4b:s4+s14], $0x80, s18, s14, $0xb8;
	[tilespmem:$0x1CC00] =	vst v63  }
0x30: {  	_ =	swait.ge [sflag:s16], $0x4000  }
0x31: {  	[sflag:s16] =	ssyncset.done $0x0  }
0x32: {  	s18 =	sadd.s32 $0x2800, s18;
	[sflag:s16] =	ssyncadd.s32 $0xFFFFC000  }
0x33: {  	[spmem:s1] =	stream.indirect.scatter.add.f32 [tilespmem:s15], [sflag:$0x2], $0x80, s18, s14, $0xb8;
	[tilespmem:$0x1CC00] =	vst v63  }
0x34: {  	_ =	swait.ge [sflag:s10], $0x4000  }
0x35: {  	s17 =	sadd.s32 $0x1, s17;
	[sflag:s10] =	ssyncset.done $0x0  }
0x36: {  	p0 =	sne.s32 s17, s9;
	[sflag:s10] =	ssyncadd.s32 $0xFFFFC000  }
.Ltmp1:
0x37: {  	[bflag:$0x0] =	sbarrier.arrive $0xFFFF;
	(pc) =	sbr.rel @p0 .LBB2_1-.Ltmp1, $4  }
0x38: {  	[hbm:s8], [sflag:s12] =	dma.local [spmem:s13], $0x2780  }
0x39: {  	_ =	swait.ge [sflag:s10], $0x2780  }
0x3a: {  	[sflag:s10] =	ssyncset.done $0x0  }
0x3b: {  	[sflag:s10] =	ssyncadd.s32 $0xFFFFD880  }
0x3c: {  	_ =	sfence.sel $0x180000  }
0x3d: {  	[bflag:$0x0] =	sbarrier.arrive $0xFFFF  }
0x3e: {  	p0 =	sne.s32 s2, $0x0;
	_ =	strace $0x90000047  }
0x3f: {  	s0 =	sadd.s32 @!p0 $0x100000, s0;
	[bflag:$0x2] =	sbarrier.arrive $0xFFFF  }
0x40: {  	[sflag:s0] =	ssyncadd.tile.s32 @!p0 $0x1;
	_ =	shalt  }
.Lfunc_end2:
_tile_overlayer_lowered:
.L_overlay_start_2:
0x41: {  	(tag) =	ssettag $0x2  }
0x42: {  	s0 =	rddreg [dreg:$0x0];
	s2 =	stileid.u32  }
0x43: {  	s1 =	rddreg [dreg:$0x1];
	p0 =	sne.s32 s2, $0x0  }
0x44: {  	s3 =	rddreg [dreg:$0x2];
	[bflag:$0x3] =	sbarrier.arrive $0xFFFF;
	s2 =	simm.s32 @!p0 $0x1C02  }
0x45: {  	[timem:s3], [sflag:s2] =	dma.local @!p0 [hbm:s0], s1  }
0x46: {  	s0 =	simm.s32 @!p0 $0x2  }
0x47: {  	_ =	swait.ge @!p0 [sflag:s0], s1  }
0x48: {  	s1 =	ssub.s32 @!p0 $0x0, s1;
	[sflag:s0] =	ssyncset.done @!p0 $0x0  }
0x49: {  	[sflag:s0] =	ssyncadd.s32 @!p0 s1  }
0x4a: {  	[bflag:$0x3] =	sbarrier.arrive $0xFFFF  }
0x4b: {  	_ =	shalt  }

</sc_bundles>
